<compile_context>
chip_gen: v7x
topology: tpu7x:2x2x1
jax: 0.10.2.dev20260603
libtpu: 0.0.44.dev20260713+nightly
codegen_flags: <defaults>
</compile_context>

<pallas_src>
import functools

import jax
import jax.numpy as jnp
from jax import lax
from jax.experimental import pallas as pl
from jax.experimental.pallas import tpu as pltpu
from jax.experimental.pallas import tpu_sc as plsc

_VOC = 1_000_000
_DIM = 16
_N = 3_276_800

_NC = 2
_NS = 16
_NW = _NC * _NS
_VPAD = 1_048_576

_MESH = plsc.VectorSubcoreMesh(
    core_axis_name="c", subcore_axis_name="s", num_cores=_NC, num_subcores=_NS
)

_PER_W = _N // _NW
_SEG = 128
_HK = 8
_NBLK = 4
_BLK_ROWS = _PER_W // (_NBLK * _SEG)
_HGRP = _BLK_ROWS // _HK
_ZCH = 8192
_ZPT = _VPAD // _NS


def _hist_body(x_ref, cnt_ref, idxa, idxb, ones_v, zero_v, cnt_sp, sem, zsem,
               ssem):
    cid = lax.axis_index("c")
    sid = lax.axis_index("s")
    wid = cid * _NS + sid

    def obody(i, _):
        ones_v[pl.ds(i * 16, 16)] = jnp.ones((16,), jnp.float32)
        return 0

    lax.fori_loop(0, _SEG // 16, obody, 0)

    def zbody(i, _):
        zero_v[pl.ds(i * 16, 16)] = jnp.zeros((16,), jnp.float32)
        return 0

    lax.fori_loop(0, _ZCH // 16, zbody, 0)

    stage = pltpu.async_copy(x_ref.at[wid, 0], idxa, ssem)
    zcopies = [
        pltpu.async_copy(
            zero_v, cnt_sp.at[pl.ds(sid * _ZPT + i * _ZCH, _ZCH)], zsem
        )
        for i in range(_ZPT // _ZCH)
    ]
    for c in zcopies:
        c.wait()
    plsc.subcore_barrier()

    def fire(idx_v, g):
        for j in range(_HK):
            pltpu.async_copy(
                ones_v, cnt_sp.at[idx_v.at[g * _HK + j]], sem, add=True
            )

    def drain():
        pltpu.make_async_copy(
            cnt_ref.at[0, pl.ds(0, _HK * _SEG)],
            zero_v.at[pl.ds(0, _HK * _SEG)],
            sem,
        ).wait()

    bufs = (idxa, idxb)
    for blk in range(_NBLK):
        idx_v = bufs[blk % 2]
        stage.wait()
        if blk + 1 < _NBLK:
            stage = pltpu.async_copy(
                x_ref.at[wid, blk + 1], bufs[(blk + 1) % 2], ssem
            )
        fire(idx_v, 0)
        fire(idx_v, 1)

        def step(g, _):
            fire(idx_v, g + 2)
            drain()
            return 0

        lax.fori_loop(0, _HGRP - 2, step, 0)
        drain()
        drain()

    plsc.subcore_barrier()
    pltpu.sync_copy(
        cnt_sp.at[pl.ds(sid * _ZPT, _ZPT)],
        cnt_ref.at[cid, pl.ds(sid * _ZPT, _ZPT)],
    )


_sc_hist = functools.partial(
    pl.kernel,
    out_type=jax.ShapeDtypeStruct((_NC, _VPAD), jnp.float32),
    mesh=_MESH,
    scratch_types=[
        pltpu.VMEM((_BLK_ROWS, _SEG), jnp.int32),
        pltpu.VMEM((_BLK_ROWS, _SEG), jnp.int32),
        pltpu.VMEM((_SEG,), jnp.float32),
        pltpu.VMEM((_ZCH,), jnp.float32),
        pltpu.VMEM_SHARED((_VPAD,), jnp.float32),
        pltpu.SemaphoreType.DMA,
        pltpu.SemaphoreType.DMA,
        pltpu.SemaphoreType.DMA,
    ],
)(_hist_body)


_TL = 131_072
_TG = _VPAD // _TL


def _tc_wsum_body(c_ref, w_ref, o_ref):
    i = pl.program_id(0)

    @pl.when(i == 0)
    def _init():
        o_ref[...] = jnp.zeros_like(o_ref)

    c = c_ref[0:1, :] + c_ref[1:2, :]
    wb = w_ref[...]
    v = i * _TL + jax.lax.broadcasted_iota(jnp.int32, (_DIM, _TL), 1)
    prod = jnp.where(v < _VOC, wb * c, jnp.float32(0.0))
    o_ref[...] += jnp.sum(prod, axis=1, keepdims=True)


_tc_wsum = pl.pallas_call(
    _tc_wsum_body,
    grid=(_TG,),
    in_specs=[
        pl.BlockSpec((_NC, _TL), lambda i: (0, i)),
        pl.BlockSpec((_DIM, _TL), lambda i: (0, i)),
    ],
    out_specs=pl.BlockSpec((_DIM, 1), lambda i: (0, 0)),
    out_shape=jax.ShapeDtypeStruct((_DIM, 1), jnp.float32),
)


def kernel(x, weight):
    x4 = x.astype(jnp.int32).reshape(_NW, _NBLK, _BLK_ROWS, _SEG)
    counts = _sc_hist(x4)
    o = _tc_wsum(counts, weight.T)
    return o.reshape(1, _DIM) * jnp.float32(1.0 / _N)

# --- scband reference (transcript-rebuilt; emitter-appended) ---
"""Pipeline reference for scband-random-word-vec-51007031608009 (READ-ONLY COPY).

The authoritative reference and input builder live on the scoring server;
editing this copy changes nothing except your own understanding.
"""

import jax, jax.numpy as jnp
import numpy as np

VOC_SIZE = 1000000
DIM = 16
N_IDX = 3276800

def setup_inputs(seed: int = 0) -> dict:
    key = jax.random.key(seed)
    k1, k2 = jax.random.split(key)
    x = jax.random.randint(k1, (N_IDX,), 0, VOC_SIZE, dtype=jnp.int64)
    # EmbeddingBag weight: default init ~ N(0, 1) in torch
    weight = jax.random.normal(k2, (VOC_SIZE, DIM), dtype=jnp.float32)
    return {"x": x, "weight": weight}

def reference(x, weight):
    # bow=True path: nn.EmbeddingBag(voc_size, dim, mode='mean') with offsets=[0]
    # -> a single bag spanning all of x; output shape [1, dim]
    emb = jnp.take(weight, x, axis=0)          # gather [N_IDX, DIM]
    out = jnp.mean(emb, axis=0, keepdims=True) # mean-reduce bag -> [1, DIM]
    return out

if __name__ == "__main__":
    import jax
    _d = setup_inputs()
    print(jax.jit(kernel)(*tuple(_d.values())))

</pallas_src>

<mosaic_0001>
#map = affine_map<(d0, d1) -> (0, 0, 0, 0)>
#map1 = affine_map<(d0, d1) -> (0, 0)>
module attributes {stable_mosaic.version = 14 : i64} {
  func.func @_hist_body(%arg0: i32, %arg1: i32, %arg2: memref<32x4x200x128xi32, #tpu.memory_space<hbm>>, %arg3: memref<2x1048576xf32, #tpu.memory_space<hbm>>, %arg4: memref<200x128xi32, #tpu.memory_space<vmem>>, %arg5: memref<200x128xi32, #tpu.memory_space<vmem>>, %arg6: memref<128xf32, #tpu.memory_space<vmem>>, %arg7: memref<8192xf32, #tpu.memory_space<vmem>>, %arg8: memref<1048576xf32, #tpu.memory_space<vmem_shared>>, %arg9: memref<!tpu.dma_semaphore, #tpu.memory_space<semaphore_mem>>, %arg10: memref<!tpu.dma_semaphore, #tpu.memory_space<semaphore_mem>>, %arg11: memref<!tpu.dma_semaphore, #tpu.memory_space<semaphore_mem>>) attributes {dimension_semantics = [#tpu.dimension_semantics<core_parallel>, #tpu.dimension_semantics<subcore_parallel>], iteration_bounds = array<i64: 2, 16>, scalar_prefetch = 0 : i64, scratch_operands = 8 : i64, tpu.core_type = #tpu.core_type<sc_vector_subcore>, window_params = [{transform_indices = #map}, {transform_indices = #map1}]} {
    %mul3A = arith.constant 16 : i32
    %mul3A_0 = arith.muli %arg0, %mul3A : i32
    %add3A = arith.addi %mul3A_0, %arg1 : i32
    %scan3A = arith.constant 0 : i32
    %scan3A_1 = arith.constant 0 : i32
    %scan3A_2 = arith.constant 8 : i32
    %scan3A_3 = arith.addi %scan3A_1, %scan3A_2 : i32
    %scan3A_4 = arith.constant 1 : i32
    %scan3A_5 = scf.for %scan3A_653 = %scan3A_1 to %scan3A_3 step %scan3A_4 iter_args(%scan3A_654 = %scan3A) -> (i32)  : i32 {
      %broadcast_in_dim3A = arith.constant 1.000000e+00 : f32
      %broadcast_in_dim3A_655 = vector.broadcast %broadcast_in_dim3A : f32 to vector<16xf32>
      %mul3A_656 = arith.constant 16 : i32
      %mul3A_657 = arith.muli %scan3A_653, %mul3A_656 : i32
      %swap3A = arith.index_cast %mul3A_657 : i32 to index
      %swap3A_658 = tpu.vector_load %arg6[%swap3A] {strides = array<i32>} : memref<128xf32, #tpu.memory_space<vmem>>, vector<16xf32>,
      %swap3A_659 = vector.shape_cast %swap3A_658 : vector<16xf32> to vector<16xf32>
      %swap3A_660 = vector.shape_cast %broadcast_in_dim3A_655 : vector<16xf32> to vector<16xf32>
      tpu.vector_store %arg6[%swap3A], %swap3A_660 {strides = array<i32>} : memref<128xf32, #tpu.memory_space<vmem>>, vector<16xf32>,
      %scan3A_661 = arith.constant 0 : i32
      scf.yield %scan3A_661 : i32
    }
    %scan3A_6 = arith.constant 8 : i32
    %scan3A_7 = arith.constant 0 : i32
    %scan3A_8 = arith.constant 0 : i32
    %scan3A_9 = arith.constant 512 : i32
    %scan3A_10 = arith.addi %scan3A_8, %scan3A_9 : i32
    %scan3A_11 = arith.constant 1 : i32
    %scan3A_12 = scf.for %scan3A_653 = %scan3A_8 to %scan3A_10 step %scan3A_11 iter_args(%scan3A_654 = %scan3A_7) -> (i32)  : i32 {
      %broadcast_in_dim3A = arith.constant 0.000000e+00 : f32
      %broadcast_in_dim3A_655 = vector.broadcast %broadcast_in_dim3A : f32 to vector<16xf32>
      %mul3A_656 = arith.constant 16 : i32
      %mul3A_657 = arith.muli %scan3A_653, %mul3A_656 : i32
      %swap3A = arith.index_cast %mul3A_657 : i32 to index
      %swap3A_658 = tpu.vector_load %arg7[%swap3A] {strides = array<i32>} : memref<8192xf32, #tpu.memory_space<vmem>>, vector<16xf32>,
      %swap3A_659 = vector.shape_cast %swap3A_658 : vector<16xf32> to vector<16xf32>
      %swap3A_660 = vector.shape_cast %broadcast_in_dim3A_655 : vector<16xf32> to vector<16xf32>
      tpu.vector_store %arg7[%swap3A], %swap3A_660 {strides = array<i32>} : memref<8192xf32, #tpu.memory_space<vmem>>, vector<16xf32>,
      %scan3A_661 = arith.constant 0 : i32
      scf.yield %scan3A_661 : i32
    }
    %scan3A_13 = arith.constant 512 : i32
    %dma_start3A = arith.constant 0 : i32
    %dma_start3A_14 = arith.constant 0 : i32
    %dma_start3A_15 = arith.constant 0 : i32
    %dma_start3A_16 = tpu.memref_slice %arg2[%add3A, %dma_start3A, %dma_start3A_14, %dma_start3A_15] : memref<32x4x200x128xi32, #tpu.memory_space<hbm>> -> memref<1x1x200x128xi32, #tpu.memory_space<hbm>>
    %dma_start3A_17 = tpu.memref_squeeze %dma_start3A_16 : memref<1x1x200x128xi32, #tpu.memory_space<hbm>> -> memref<200x128xi32, #tpu.memory_space<hbm>>
    %dma_start3A_18 = arith.constant 0 : i32
    %dma_start3A_19 = arith.constant 0 : i32
    %dma_start3A_20 = tpu.memref_slice %arg2[%add3A, %dma_start3A, %dma_start3A_18, %dma_start3A_19] : memref<32x4x200x128xi32, #tpu.memory_space<hbm>> -> memref<1x1x200x128xi32, #tpu.memory_space<hbm>>
    %dma_start3A_21 = tpu.memref_squeeze %dma_start3A_20 : memref<1x1x200x128xi32, #tpu.memory_space<hbm>> -> memref<200x128xi32, #tpu.memory_space<hbm>>
    tpu.enqueue_dma source(%dma_start3A_21 : memref<200x128xi32, #tpu.memory_space<hbm>>) target(%arg4 : memref<200x128xi32, #tpu.memory_space<vmem>>) target_semaphore(%arg11 : memref<!tpu.dma_semaphore, #tpu.memory_space<semaphore_mem>>)
    %mul3A_22 = arith.constant 65536 : i32
    %mul3A_23 = arith.muli %arg1, %mul3A_22 : i32
    %add3A_24 = arith.constant 0 : i32
    %add3A_25 = arith.addi %mul3A_23, %add3A_24 : i32
    %dma_start3A_26 = tpu.memref_slice %arg8[%add3A_25] : memref<1048576xf32, #tpu.memory_space<vmem_shared>> -> memref<8192xf32, #tpu.memory_space<vmem_shared>>
    %dma_start3A_27 = tpu.memref_slice %arg8[%add3A_25] : memref<1048576xf32, #tpu.memory_space<vmem_shared>> -> memref<8192xf32, #tpu.memory_space<vmem_shared>>
    tpu.enqueue_dma source(%arg7 : memref<8192xf32, #tpu.memory_space<vmem>>) target(%dma_start3A_27 : memref<8192xf32, #tpu.memory_space<vmem_shared>>) target_semaphore(%arg10 : memref<!tpu.dma_semaphore, #tpu.memory_space<semaphore_mem>>)
    %mul3A_28 = arith.constant 65536 : i32
    %mul3A_29 = arith.muli %arg1, %mul3A_28 : i32
    %add3A_30 = arith.constant 8192 : i32
    %add3A_31 = arith.addi %mul3A_29, %add3A_30 : i32
    %dma_start3A_32 = tpu.memref_slice %arg8[%add3A_31] : memref<1048576xf32, #tpu.memory_space<vmem_shared>> -> memref<8192xf32, #tpu.memory_space<vmem_shared>>
    %dma_start3A_33 = tpu.memref_slice %arg8[%add3A_31] : memref<1048576xf32, #tpu.memory_space<vmem_shared>> -> memref<8192xf32, #tpu.memory_space<vmem_shared>>
    tpu.enqueue_dma source(%arg7 : memref<8192xf32, #tpu.memory_space<vmem>>) target(%dma_start3A_33 : memref<8192xf32, #tpu.memory_space<vmem_shared>>) target_semaphore(%arg10 : memref<!tpu.dma_semaphore, #tpu.memory_space<semaphore_mem>>)
    %mul3A_34 = arith.constant 65536 : i32
    %mul3A_35 = arith.muli %arg1, %mul3A_34 : i32
    %add3A_36 = arith.constant 16384 : i32
    %add3A_37 = arith.addi %mul3A_35, %add3A_36 : i32
    %dma_start3A_38 = tpu.memref_slice %arg8[%add3A_37] : memref<1048576xf32, #tpu.memory_space<vmem_shared>> -> memref<8192xf32, #tpu.memory_space<vmem_shared>>
    %dma_start3A_39 = tpu.memref_slice %arg8[%add3A_37] : memref<1048576xf32, #tpu.memory_space<vmem_shared>> -> memref<8192xf32, #tpu.memory_space<vmem_shared>>
    tpu.enqueue_dma source(%arg7 : memref<8192xf32, #tpu.memory_space<vmem>>) target(%dma_start3A_39 : memref<8192xf32, #tpu.memory_space<vmem_shared>>) target_semaphore(%arg10 : memref<!tpu.dma_semaphore, #tpu.memory_space<semaphore_mem>>)
    %mul3A_40 = arith.constant 65536 : i32
    %mul3A_41 = arith.muli %arg1, %mul3A_40 : i32
    %add3A_42 = arith.constant 24576 : i32
    %add3A_43 = arith.addi %mul3A_41, %add3A_42 : i32
    %dma_start3A_44 = tpu.memref_slice %arg8[%add3A_43] : memref<1048576xf32, #tpu.memory_space<vmem_shared>> -> memref<8192xf32, #tpu.memory_space<vmem_shared>>
    %dma_start3A_45 = tpu.memref_slice %arg8[%add3A_43] : memref<1048576xf32, #tpu.memory_space<vmem_shared>> -> memref<8192xf32, #tpu.memory_space<vmem_shared>>
    tpu.enqueue_dma source(%arg7 : memref<8192xf32, #tpu.memory_space<vmem>>) target(%dma_start3A_45 : memref<8192xf32, #tpu.memory_space<vmem_shared>>) target_semaphore(%arg10 : memref<!tpu.dma_semaphore, #tpu.memory_space<semaphore_mem>>)
    %mul3A_46 = arith.constant 65536 : i32
    %mul3A_47 = arith.muli %arg1, %mul3A_46 : i32
    %add3A_48 = arith.constant 32768 : i32
    %add3A_49 = arith.addi %mul3A_47, %add3A_48 : i32
    %dma_start3A_50 = tpu.memref_slice %arg8[%add3A_49] : memref<1048576xf32, #tpu.memory_space<vmem_shared>> -> memref<8192xf32, #tpu.memory_space<vmem_shared>>
    %dma_start3A_51 = tpu.memref_slice %arg8[%add3A_49] : memref<1048576xf32, #tpu.memory_space<vmem_shared>> -> memref<8192xf32, #tpu.memory_space<vmem_shared>>
    tpu.enqueue_dma source(%arg7 : memref<8192xf32, #tpu.memory_space<vmem>>) target(%dma_start3A_51 : memref<8192xf32, #tpu.memory_space<vmem_shared>>) target_semaphore(%arg10 : memref<!tpu.dma_semaphore, #tpu.memory_space<semaphore_mem>>)
    %mul3A_52 = arith.constant 65536 : i32
    %mul3A_53 = arith.muli %arg1, %mul3A_52 : i32
    %add3A_54 = arith.constant 40960 : i32
    %add3A_55 = arith.addi %mul3A_53, %add3A_54 : i32
    %dma_start3A_56 = tpu.memref_slice %arg8[%add3A_55] : memref<1048576xf32, #tpu.memory_space<vmem_shared>> -> memref<8192xf32, #tpu.memory_space<vmem_shared>>
    %dma_start3A_57 = tpu.memref_slice %arg8[%add3A_55] : memref<1048576xf32, #tpu.memory_space<vmem_shared>> -> memref<8192xf32, #tpu.memory_space<vmem_shared>>
    tpu.enqueue_dma source(%arg7 : memref<8192xf32, #tpu.memory_space<vmem>>) target(%dma_start3A_57 : memref<8192xf32, #tpu.memory_space<vmem_shared>>) target_semaphore(%arg10 : memref<!tpu.dma_semaphore, #tpu.memory_space<semaphore_mem>>)
    %mul3A_58 = arith.constant 65536 : i32
    %mul3A_59 = arith.muli %arg1, %mul3A_58 : i32
    %add3A_60 = arith.constant 49152 : i32
    %add3A_61 = arith.addi %mul3A_59, %add3A_60 : i32
    %dma_start3A_62 = tpu.memref_slice %arg8[%add3A_61] : memref<1048576xf32, #tpu.memory_space<vmem_shared>> -> memref<8192xf32, #tpu.memory_space<vmem_shared>>
    %dma_start3A_63 = tpu.memref_slice %arg8[%add3A_61] : memref<1048576xf32, #tpu.memory_space<vmem_shared>> -> memref<8192xf32, #tpu.memory_space<vmem_shared>>
    tpu.enqueue_dma source(%arg7 : memref<8192xf32, #tpu.memory_space<vmem>>) target(%dma_start3A_63 : memref<8192xf32, #tpu.memory_space<vmem_shared>>) target_semaphore(%arg10 : memref<!tpu.dma_semaphore, #tpu.memory_space<semaphore_mem>>)
    %mul3A_64 = arith.constant 65536 : i32
    %mul3A_65 = arith.muli %arg1, %mul3A_64 : i32
    %add3A_66 = arith.constant 57344 : i32
    %add3A_67 = arith.addi %mul3A_65, %add3A_66 : i32
    %dma_start3A_68 = tpu.memref_slice %arg8[%add3A_67] : memref<1048576xf32, #tpu.memory_space<vmem_shared>> -> memref<8192xf32, #tpu.memory_space<vmem_shared>>
    %dma_start3A_69 = tpu.memref_slice %arg8[%add3A_67] : memref<1048576xf32, #tpu.memory_space<vmem_shared>> -> memref<8192xf32, #tpu.memory_space<vmem_shared>>
    tpu.enqueue_dma source(%arg7 : memref<8192xf32, #tpu.memory_space<vmem>>) target(%dma_start3A_69 : memref<8192xf32, #tpu.memory_space<vmem_shared>>) target_semaphore(%arg10 : memref<!tpu.dma_semaphore, #tpu.memory_space<semaphore_mem>>)
    %dma_wait3A = tpu.memref_slice %arg8[%add3A_25] : memref<1048576xf32, #tpu.memory_space<vmem_shared>> -> memref<8192xf32, #tpu.memory_space<vmem_shared>>
    %dma_wait3A_70 = tpu.memref_slice %arg8[%add3A_25] : memref<1048576xf32, #tpu.memory_space<vmem_shared>> -> memref<8192xf32, #tpu.memory_space<vmem_shared>>
    tpu.wait_dma2 semaphore(%arg10 : memref<!tpu.dma_semaphore, #tpu.memory_space<semaphore_mem>>) src(%arg7 : memref<8192xf32, #tpu.memory_space<vmem>>) dst(%dma_wait3A_70 : memref<8192xf32, #tpu.memory_space<vmem_shared>>)
    %dma_wait3A_71 = tpu.memref_slice %arg8[%add3A_31] : memref<1048576xf32, #tpu.memory_space<vmem_shared>> -> memref<8192xf32, #tpu.memory_space<vmem_shared>>
    %dma_wait3A_72 = tpu.memref_slice %arg8[%add3A_31] : memref<1048576xf32, #tpu.memory_space<vmem_shared>> -> memref<8192xf32, #tpu.memory_space<vmem_shared>>
    tpu.wait_dma2 semaphore(%arg10 : memref<!tpu.dma_semaphore, #tpu.memory_space<semaphore_mem>>) src(%arg7 : memref<8192xf32, #tpu.memory_space<vmem>>) dst(%dma_wait3A_72 : memref<8192xf32, #tpu.memory_space<vmem_shared>>)
    %dma_wait3A_73 = tpu.memref_slice %arg8[%add3A_37] : memref<1048576xf32, #tpu.memory_space<vmem_shared>> -> memref<8192xf32, #tpu.memory_space<vmem_shared>>
    %dma_wait3A_74 = tpu.memref_slice %arg8[%add3A_37] : memref<1048576xf32, #tpu.memory_space<vmem_shared>> -> memref<8192xf32, #tpu.memory_space<vmem_shared>>
    tpu.wait_dma2 semaphore(%arg10 : memref<!tpu.dma_semaphore, #tpu.memory_space<semaphore_mem>>) src(%arg7 : memref<8192xf32, #tpu.memory_space<vmem>>) dst(%dma_wait3A_74 : memref<8192xf32, #tpu.memory_space<vmem_shared>>)
    %dma_wait3A_75 = tpu.memref_slice %arg8[%add3A_43] : memref<1048576xf32, #tpu.memory_space<vmem_shared>> -> memref<8192xf32, #tpu.memory_space<vmem_shared>>
    %dma_wait3A_76 = tpu.memref_slice %arg8[%add3A_43] : memref<1048576xf32, #tpu.memory_space<vmem_shared>> -> memref<8192xf32, #tpu.memory_space<vmem_shared>>
    tpu.wait_dma2 semaphore(%arg10 : memref<!tpu.dma_semaphore, #tpu.memory_space<semaphore_mem>>) src(%arg7 : memref<8192xf32, #tpu.memory_space<vmem>>) dst(%dma_wait3A_76 : memref<8192xf32, #tpu.memory_space<vmem_shared>>)
    %dma_wait3A_77 = tpu.memref_slice %arg8[%add3A_49] : memref<1048576xf32, #tpu.memory_space<vmem_shared>> -> memref<8192xf32, #tpu.memory_space<vmem_shared>>
    %dma_wait3A_78 = tpu.memref_slice %arg8[%add3A_49] : memref<1048576xf32, #tpu.memory_space<vmem_shared>> -> memref<8192xf32, #tpu.memory_space<vmem_shared>>
    tpu.wait_dma2 semaphore(%arg10 : memref<!tpu.dma_semaphore, #tpu.memory_space<semaphore_mem>>) src(%arg7 : memref<8192xf32, #tpu.memory_space<vmem>>) dst(%dma_wait3A_78 : memref<8192xf32, #tpu.memory_space<vmem_shared>>)
    %dma_wait3A_79 = tpu.memref_slice %arg8[%add3A_55] : memref<1048576xf32, #tpu.memory_space<vmem_shared>> -> memref<8192xf32, #tpu.memory_space<vmem_shared>>
    %dma_wait3A_80 = tpu.memref_slice %arg8[%add3A_55] : memref<1048576xf32, #tpu.memory_space<vmem_shared>> -> memref<8192xf32, #tpu.memory_space<vmem_shared>>
    tpu.wait_dma2 semaphore(%arg10 : memref<!tpu.dma_semaphore, #tpu.memory_space<semaphore_mem>>) src(%arg7 : memref<8192xf32, #tpu.memory_space<vmem>>) dst(%dma_wait3A_80 : memref<8192xf32, #tpu.memory_space<vmem_shared>>)
    %dma_wait3A_81 = tpu.memref_slice %arg8[%add3A_61] : memref<1048576xf32, #tpu.memory_space<vmem_shared>> -> memref<8192xf32, #tpu.memory_space<vmem_shared>>
    %dma_wait3A_82 = tpu.memref_slice %arg8[%add3A_61] : memref<1048576xf32, #tpu.memory_space<vmem_shared>> -> memref<8192xf32, #tpu.memory_space<vmem_shared>>
    tpu.wait_dma2 semaphore(%arg10 : memref<!tpu.dma_semaphore, #tpu.memory_space<semaphore_mem>>) src(%arg7 : memref<8192xf32, #tpu.memory_space<vmem>>) dst(%dma_wait3A_82 : memref<8192xf32, #tpu.memory_space<vmem_shared>>)
    %dma_wait3A_83 = tpu.memref_slice %arg8[%add3A_67] : memref<1048576xf32, #tpu.memory_space<vmem_shared>> -> memref<8192xf32, #tpu.memory_space<vmem_shared>>
    %dma_wait3A_84 = tpu.memref_slice %arg8[%add3A_67] : memref<1048576xf32, #tpu.memory_space<vmem_shared>> -> memref<8192xf32, #tpu.memory_space<vmem_shared>>
    tpu.wait_dma2 semaphore(%arg10 : memref<!tpu.dma_semaphore, #tpu.memory_space<semaphore_mem>>) src(%arg7 : memref<8192xf32, #tpu.memory_space<vmem>>) dst(%dma_wait3A_84 : memref<8192xf32, #tpu.memory_space<vmem_shared>>)
    %barrier3A = arith.constant 0 : index
    tpu.barrier barrier_id(%barrier3A)
    %dma_wait3A_85 = arith.constant 0 : i32
    %dma_wait3A_86 = arith.constant 0 : i32
    %dma_wait3A_87 = arith.constant 0 : i32
    %dma_wait3A_88 = tpu.memref_slice %arg2[%add3A, %dma_wait3A_85, %dma_wait3A_86, %dma_wait3A_87] : memref<32x4x200x128xi32, #tpu.memory_space<hbm>> -> memref<1x1x200x128xi32, #tpu.memory_space<hbm>>
    %dma_wait3A_89 = tpu.memref_squeeze %dma_wait3A_88 : memref<1x1x200x128xi32, #tpu.memory_space<hbm>> -> memref<200x128xi32, #tpu.memory_space<hbm>>
    %dma_wait3A_90 = arith.constant 0 : i32
    %dma_wait3A_91 = arith.constant 0 : i32
    %dma_wait3A_92 = tpu.memref_slice %arg2[%add3A, %dma_wait3A_85, %dma_wait3A_90, %dma_wait3A_91] : memref<32x4x200x128xi32, #tpu.memory_space<hbm>> -> memref<1x1x200x128xi32, #tpu.memory_space<hbm>>
    %dma_wait3A_93 = tpu.memref_squeeze %dma_wait3A_92 : memref<1x1x200x128xi32, #tpu.memory_space<hbm>> -> memref<200x128xi32, #tpu.memory_space<hbm>>
    tpu.wait_dma2 semaphore(%arg11 : memref<!tpu.dma_semaphore, #tpu.memory_space<semaphore_mem>>) src(%dma_wait3A_93 : memref<200x128xi32, #tpu.memory_space<hbm>>) dst(%arg4 : memref<200x128xi32, #tpu.memory_space<vmem>>)
    %dma_start3A_94 = arith.constant 1 : i32
    %dma_start3A_95 = arith.constant 0 : i32
    %dma_start3A_96 = arith.constant 0 : i32
    %dma_start3A_97 = tpu.memref_slice %arg2[%add3A, %dma_start3A_94, %dma_start3A_95, %dma_start3A_96] : memref<32x4x200x128xi32, #tpu.memory_space<hbm>> -> memref<1x1x200x128xi32, #tpu.memory_space<hbm>>
    %dma_start3A_98 = tpu.memref_squeeze %dma_start3A_97 : memref<1x1x200x128xi32, #tpu.memory_space<hbm>> -> memref<200x128xi32, #tpu.memory_space<hbm>>
    %dma_start3A_99 = arith.constant 0 : i32
    %dma_start3A_100 = arith.constant 0 : i32
    %dma_start3A_101 = tpu.memref_slice %arg2[%add3A, %dma_start3A_94, %dma_start3A_99, %dma_start3A_100] : memref<32x4x200x128xi32, #tpu.memory_space<hbm>> -> memref<1x1x200x128xi32, #tpu.memory_space<hbm>>
    %dma_start3A_102 = tpu.memref_squeeze %dma_start3A_101 : memref<1x1x200x128xi32, #tpu.memory_space<hbm>> -> memref<200x128xi32, #tpu.memory_space<hbm>>
    tpu.enqueue_dma source(%dma_start3A_102 : memref<200x128xi32, #tpu.memory_space<hbm>>) target(%arg5 : memref<200x128xi32, #tpu.memory_space<vmem>>) target_semaphore(%arg11 : memref<!tpu.dma_semaphore, #tpu.memory_space<semaphore_mem>>)
    %dma_start3A_103 = arith.constant 0 : i32
    %dma_start3A_104 = arith.constant 0 : i32
    %dma_start3A_105 = tpu.memref_slice %arg4[%dma_start3A_103, %dma_start3A_104] : memref<200x128xi32, #tpu.memory_space<vmem>> -> memref<1x128xi32, #tpu.memory_space<vmem>>
    %dma_start3A_106 = tpu.memref_squeeze %dma_start3A_105 : memref<1x128xi32, #tpu.memory_space<vmem>> -> memref<128xi32, #tpu.memory_space<vmem>>
    %dma_start3A_107 = arith.constant 0 : i32
    %dma_start3A_108 = tpu.memref_slice %arg8[%dma_start3A_107] : memref<1048576xf32, #tpu.memory_space<vmem_shared>> -> memref<1048576xf32, #tpu.memory_space<vmem_shared>>
    tpu.enqueue_indirect_dma source(%arg6 : memref<128xf32, #tpu.memory_space<vmem>>) target(%dma_start3A_108 : memref<1048576xf32, #tpu.memory_space<vmem_shared>>) offsets(%dma_start3A_106 : memref<128xi32, #tpu.memory_space<vmem>>) semaphore(%arg9 : memref<!tpu.dma_semaphore, #tpu.memory_space<semaphore_mem>>) {add = true}
    %dma_start3A_109 = arith.constant 1 : i32
    %dma_start3A_110 = arith.constant 0 : i32
    %dma_start3A_111 = tpu.memref_slice %arg4[%dma_start3A_109, %dma_start3A_110] : memref<200x128xi32, #tpu.memory_space<vmem>> -> memref<1x128xi32, #tpu.memory_space<vmem>>
    %dma_start3A_112 = tpu.memref_squeeze %dma_start3A_111 : memref<1x128xi32, #tpu.memory_space<vmem>> -> memref<128xi32, #tpu.memory_space<vmem>>
    %dma_start3A_113 = arith.constant 0 : i32
    %dma_start3A_114 = tpu.memref_slice %arg8[%dma_start3A_113] : memref<1048576xf32, #tpu.memory_space<vmem_shared>> -> memref<1048576xf32, #tpu.memory_space<vmem_shared>>
    tpu.enqueue_indirect_dma source(%arg6 : memref<128xf32, #tpu.memory_space<vmem>>) target(%dma_start3A_114 : memref<1048576xf32, #tpu.memory_space<vmem_shared>>) offsets(%dma_start3A_112 : memref<128xi32, #tpu.memory_space<vmem>>) semaphore(%arg9 : memref<!tpu.dma_semaphore, #tpu.memory_space<semaphore_mem>>) {add = true}
    %dma_start3A_115 = arith.constant 2 : i32
    %dma_start3A_116 = arith.constant 0 : i32
    %dma_start3A_117 = tpu.memref_slice %arg4[%dma_start3A_115, %dma_start3A_116] : memref<200x128xi32, #tpu.memory_space<vmem>> -> memref<1x128xi32, #tpu.memory_space<vmem>>
    %dma_start3A_118 = tpu.memref_squeeze %dma_start3A_117 : memref<1x128xi32, #tpu.memory_space<vmem>> -> memref<128xi32, #tpu.memory_space<vmem>>
    %dma_start3A_119 = arith.constant 0 : i32
    %dma_start3A_120 = tpu.memref_slice %arg8[%dma_start3A_119] : memref<1048576xf32, #tpu.memory_space<vmem_shared>> -> memref<1048576xf32, #tpu.memory_space<vmem_shared>>
    tpu.enqueue_indirect_dma source(%arg6 : memref<128xf32, #tpu.memory_space<vmem>>) target(%dma_start3A_120 : memref<1048576xf32, #tpu.memory_space<vmem_shared>>) offsets(%dma_start3A_118 : memref<128xi32, #tpu.memory_space<vmem>>) semaphore(%arg9 : memref<!tpu.dma_semaphore, #tpu.memory_space<semaphore_mem>>) {add = true}
    %dma_start3A_121 = arith.constant 3 : i32
    %dma_start3A_122 = arith.constant 0 : i32
    %dma_start3A_123 = tpu.memref_slice %arg4[%dma_start3A_121, %dma_start3A_122] : memref<200x128xi32, #tpu.memory_space<vmem>> -> memref<1x128xi32, #tpu.memory_space<vmem>>
    %dma_start3A_124 = tpu.memref_squeeze %dma_start3A_123 : memref<1x128xi32, #tpu.memory_space<vmem>> -> memref<128xi32, #tpu.memory_space<vmem>>
    %dma_start3A_125 = arith.constant 0 : i32
    %dma_start3A_126 = tpu.memref_slice %arg8[%dma_start3A_125] : memref<1048576xf32, #tpu.memory_space<vmem_shared>> -> memref<1048576xf32, #tpu.memory_space<vmem_shared>>
    tpu.enqueue_indirect_dma source(%arg6 : memref<128xf32, #tpu.memory_space<vmem>>) target(%dma_start3A_126 : memref<1048576xf32, #tpu.memory_space<vmem_shared>>) offsets(%dma_start3A_124 : memref<128xi32, #tpu.memory_space<vmem>>) semaphore(%arg9 : memref<!tpu.dma_semaphore, #tpu.memory_space<semaphore_mem>>) {add = true}
    %dma_start3A_127 = arith.constant 4 : i32
    %dma_start3A_128 = arith.constant 0 : i32
    %dma_start3A_129 = tpu.memref_slice %arg4[%dma_start3A_127, %dma_start3A_128] : memref<200x128xi32, #tpu.memory_space<vmem>> -> memref<1x128xi32, #tpu.memory_space<vmem>>
    %dma_start3A_130 = tpu.memref_squeeze %dma_start3A_129 : memref<1x128xi32, #tpu.memory_space<vmem>> -> memref<128xi32, #tpu.memory_space<vmem>>
    %dma_start3A_131 = arith.constant 0 : i32
    %dma_start3A_132 = tpu.memref_slice %arg8[%dma_start3A_131] : memref<1048576xf32, #tpu.memory_space<vmem_shared>> -> memref<1048576xf32, #tpu.memory_space<vmem_shared>>
    tpu.enqueue_indirect_dma source(%arg6 : memref<128xf32, #tpu.memory_space<vmem>>) target(%dma_start3A_132 : memref<1048576xf32, #tpu.memory_space<vmem_shared>>) offsets(%dma_start3A_130 : memref<128xi32, #tpu.memory_space<vmem>>) semaphore(%arg9 : memref<!tpu.dma_semaphore, #tpu.memory_space<semaphore_mem>>) {add = true}
    %dma_start3A_133 = arith.constant 5 : i32
    %dma_start3A_134 = arith.constant 0 : i32
    %dma_start3A_135 = tpu.memref_slice %arg4[%dma_start3A_133, %dma_start3A_134] : memref<200x128xi32, #tpu.memory_space<vmem>> -> memref<1x128xi32, #tpu.memory_space<vmem>>
    %dma_start3A_136 = tpu.memref_squeeze %dma_start3A_135 : memref<1x128xi32, #tpu.memory_space<vmem>> -> memref<128xi32, #tpu.memory_space<vmem>>
    %dma_start3A_137 = arith.constant 0 : i32
    %dma_start3A_138 = tpu.memref_slice %arg8[%dma_start3A_137] : memref<1048576xf32, #tpu.memory_space<vmem_shared>> -> memref<1048576xf32, #tpu.memory_space<vmem_shared>>
    tpu.enqueue_indirect_dma source(%arg6 : memref<128xf32, #tpu.memory_space<vmem>>) target(%dma_start3A_138 : memref<1048576xf32, #tpu.memory_space<vmem_shared>>) offsets(%dma_start3A_136 : memref<128xi32, #tpu.memory_space<vmem>>) semaphore(%arg9 : memref<!tpu.dma_semaphore, #tpu.memory_space<semaphore_mem>>) {add = true}
    %dma_start3A_139 = arith.constant 6 : i32
    %dma_start3A_140 = arith.constant 0 : i32
    %dma_start3A_141 = tpu.memref_slice %arg4[%dma_start3A_139, %dma_start3A_140] : memref<200x128xi32, #tpu.memory_space<vmem>> -> memref<1x128xi32, #tpu.memory_space<vmem>>
    %dma_start3A_142 = tpu.memref_squeeze %dma_start3A_141 : memref<1x128xi32, #tpu.memory_space<vmem>> -> memref<128xi32, #tpu.memory_space<vmem>>
    %dma_start3A_143 = arith.constant 0 : i32
    %dma_start3A_144 = tpu.memref_slice %arg8[%dma_start3A_143] : memref<1048576xf32, #tpu.memory_space<vmem_shared>> -> memref<1048576xf32, #tpu.memory_space<vmem_shared>>
    tpu.enqueue_indirect_dma source(%arg6 : memref<128xf32, #tpu.memory_space<vmem>>) target(%dma_start3A_144 : memref<1048576xf32, #tpu.memory_space<vmem_shared>>) offsets(%dma_start3A_142 : memref<128xi32, #tpu.memory_space<vmem>>) semaphore(%arg9 : memref<!tpu.dma_semaphore, #tpu.memory_space<semaphore_mem>>) {add = true}
    %dma_start3A_145 = arith.constant 7 : i32
    %dma_start3A_146 = arith.constant 0 : i32
    %dma_start3A_147 = tpu.memref_slice %arg4[%dma_start3A_145, %dma_start3A_146] : memref<200x128xi32, #tpu.memory_space<vmem>> -> memref<1x128xi32, #tpu.memory_space<vmem>>
    %dma_start3A_148 = tpu.memref_squeeze %dma_start3A_147 : memref<1x128xi32, #tpu.memory_space<vmem>> -> memref<128xi32, #tpu.memory_space<vmem>>
    %dma_start3A_149 = arith.constant 0 : i32
    %dma_start3A_150 = tpu.memref_slice %arg8[%dma_start3A_149] : memref<1048576xf32, #tpu.memory_space<vmem_shared>> -> memref<1048576xf32, #tpu.memory_space<vmem_shared>>
    tpu.enqueue_indirect_dma source(%arg6 : memref<128xf32, #tpu.memory_space<vmem>>) target(%dma_start3A_150 : memref<1048576xf32, #tpu.memory_space<vmem_shared>>) offsets(%dma_start3A_148 : memref<128xi32, #tpu.memory_space<vmem>>) semaphore(%arg9 : memref<!tpu.dma_semaphore, #tpu.memory_space<semaphore_mem>>) {add = true}
    %dma_start3A_151 = arith.constant 8 : i32
    %dma_start3A_152 = arith.constant 0 : i32
    %dma_start3A_153 = tpu.memref_slice %arg4[%dma_start3A_151, %dma_start3A_152] : memref<200x128xi32, #tpu.memory_space<vmem>> -> memref<1x128xi32, #tpu.memory_space<vmem>>
    %dma_start3A_154 = tpu.memref_squeeze %dma_start3A_153 : memref<1x128xi32, #tpu.memory_space<vmem>> -> memref<128xi32, #tpu.memory_space<vmem>>
    %dma_start3A_155 = arith.constant 0 : i32
    %dma_start3A_156 = tpu.memref_slice %arg8[%dma_start3A_155] : memref<1048576xf32, #tpu.memory_space<vmem_shared>> -> memref<1048576xf32, #tpu.memory_space<vmem_shared>>
    tpu.enqueue_indirect_dma source(%arg6 : memref<128xf32, #tpu.memory_space<vmem>>) target(%dma_start3A_156 : memref<1048576xf32, #tpu.memory_space<vmem_shared>>) offsets(%dma_start3A_154 : memref<128xi32, #tpu.memory_space<vmem>>) semaphore(%arg9 : memref<!tpu.dma_semaphore, #tpu.memory_space<semaphore_mem>>) {add = true}
    %dma_start3A_157 = arith.constant 9 : i32
    %dma_start3A_158 = arith.constant 0 : i32
    %dma_start3A_159 = tpu.memref_slice %arg4[%dma_start3A_157, %dma_start3A_158] : memref<200x128xi32, #tpu.memory_space<vmem>> -> memref<1x128xi32, #tpu.memory_space<vmem>>
    %dma_start3A_160 = tpu.memref_squeeze %dma_start3A_159 : memref<1x128xi32, #tpu.memory_space<vmem>> -> memref<128xi32, #tpu.memory_space<vmem>>
    %dma_start3A_161 = arith.constant 0 : i32
    %dma_start3A_162 = tpu.memref_slice %arg8[%dma_start3A_161] : memref<1048576xf32, #tpu.memory_space<vmem_shared>> -> memref<1048576xf32, #tpu.memory_space<vmem_shared>>
    tpu.enqueue_indirect_dma source(%arg6 : memref<128xf32, #tpu.memory_space<vmem>>) target(%dma_start3A_162 : memref<1048576xf32, #tpu.memory_space<vmem_shared>>) offsets(%dma_start3A_160 : memref<128xi32, #tpu.memory_space<vmem>>) semaphore(%arg9 : memref<!tpu.dma_semaphore, #tpu.memory_space<semaphore_mem>>) {add = true}
    %dma_start3A_163 = arith.constant 10 : i32
    %dma_start3A_164 = arith.constant 0 : i32
    %dma_start3A_165 = tpu.memref_slice %arg4[%dma_start3A_163, %dma_start3A_164] : memref<200x128xi32, #tpu.memory_space<vmem>> -> memref<1x128xi32, #tpu.memory_space<vmem>>
    %dma_start3A_166 = tpu.memref_squeeze %dma_start3A_165 : memref<1x128xi32, #tpu.memory_space<vmem>> -> memref<128xi32, #tpu.memory_space<vmem>>
    %dma_start3A_167 = arith.constant 0 : i32
    %dma_start3A_168 = tpu.memref_slice %arg8[%dma_start3A_167] : memref<1048576xf32, #tpu.memory_space<vmem_shared>> -> memref<1048576xf32, #tpu.memory_space<vmem_shared>>
    tpu.enqueue_indirect_dma source(%arg6 : memref<128xf32, #tpu.memory_space<vmem>>) target(%dma_start3A_168 : memref<1048576xf32, #tpu.memory_space<vmem_shared>>) offsets(%dma_start3A_166 : memref<128xi32, #tpu.memory_space<vmem>>) semaphore(%arg9 : memref<!tpu.dma_semaphore, #tpu.memory_space<semaphore_mem>>) {add = true}
    %dma_start3A_169 = arith.constant 11 : i32
    %dma_start3A_170 = arith.constant 0 : i32
    %dma_start3A_171 = tpu.memref_slice %arg4[%dma_start3A_169, %dma_start3A_170] : memref<200x128xi32, #tpu.memory_space<vmem>> -> memref<1x128xi32, #tpu.memory_space<vmem>>
    %dma_start3A_172 = tpu.memref_squeeze %dma_start3A_171 : memref<1x128xi32, #tpu.memory_space<vmem>> -> memref<128xi32, #tpu.memory_space<vmem>>
    %dma_start3A_173 = arith.constant 0 : i32
    %dma_start3A_174 = tpu.memref_slice %arg8[%dma_start3A_173] : memref<1048576xf32, #tpu.memory_space<vmem_shared>> -> memref<1048576xf32, #tpu.memory_space<vmem_shared>>
    tpu.enqueue_indirect_dma source(%arg6 : memref<128xf32, #tpu.memory_space<vmem>>) target(%dma_start3A_174 : memref<1048576xf32, #tpu.memory_space<vmem_shared>>) offsets(%dma_start3A_172 : memref<128xi32, #tpu.memory_space<vmem>>) semaphore(%arg9 : memref<!tpu.dma_semaphore, #tpu.memory_space<semaphore_mem>>) {add = true}
    %dma_start3A_175 = arith.constant 12 : i32
    %dma_start3A_176 = arith.constant 0 : i32
    %dma_start3A_177 = tpu.memref_slice %arg4[%dma_start3A_175, %dma_start3A_176] : memref<200x128xi32, #tpu.memory_space<vmem>> -> memref<1x128xi32, #tpu.memory_space<vmem>>
    %dma_start3A_178 = tpu.memref_squeeze %dma_start3A_177 : memref<1x128xi32, #tpu.memory_space<vmem>> -> memref<128xi32, #tpu.memory_space<vmem>>
    %dma_start3A_179 = arith.constant 0 : i32
    %dma_start3A_180 = tpu.memref_slice %arg8[%dma_start3A_179] : memref<1048576xf32, #tpu.memory_space<vmem_shared>> -> memref<1048576xf32, #tpu.memory_space<vmem_shared>>
    tpu.enqueue_indirect_dma source(%arg6 : memref<128xf32, #tpu.memory_space<vmem>>) target(%dma_start3A_180 : memref<1048576xf32, #tpu.memory_space<vmem_shared>>) offsets(%dma_start3A_178 : memref<128xi32, #tpu.memory_space<vmem>>) semaphore(%arg9 : memref<!tpu.dma_semaphore, #tpu.memory_space<semaphore_mem>>) {add = true}
    %dma_start3A_181 = arith.constant 13 : i32
    %dma_start3A_182 = arith.constant 0 : i32
    %dma_start3A_183 = tpu.memref_slice %arg4[%dma_start3A_181, %dma_start3A_182] : memref<200x128xi32, #tpu.memory_space<vmem>> -> memref<1x128xi32, #tpu.memory_space<vmem>>
    %dma_start3A_184 = tpu.memref_squeeze %dma_start3A_183 : memref<1x128xi32, #tpu.memory_space<vmem>> -> memref<128xi32, #tpu.memory_space<vmem>>
    %dma_start3A_185 = arith.constant 0 : i32
    %dma_start3A_186 = tpu.memref_slice %arg8[%dma_start3A_185] : memref<1048576xf32, #tpu.memory_space<vmem_shared>> -> memref<1048576xf32, #tpu.memory_space<vmem_shared>>
    tpu.enqueue_indirect_dma source(%arg6 : memref<128xf32, #tpu.memory_space<vmem>>) target(%dma_start3A_186 : memref<1048576xf32, #tpu.memory_space<vmem_shared>>) offsets(%dma_start3A_184 : memref<128xi32, #tpu.memory_space<vmem>>) semaphore(%arg9 : memref<!tpu.dma_semaphore, #tpu.memory_space<semaphore_mem>>) {add = true}
    %dma_start3A_187 = arith.constant 14 : i32
    %dma_start3A_188 = arith.constant 0 : i32
    %dma_start3A_189 = tpu.memref_slice %arg4[%dma_start3A_187, %dma_start3A_188] : memref<200x128xi32, #tpu.memory_space<vmem>> -> memref<1x128xi32, #tpu.memory_space<vmem>>
    %dma_start3A_190 = tpu.memref_squeeze %dma_start3A_189 : memref<1x128xi32, #tpu.memory_space<vmem>> -> memref<128xi32, #tpu.memory_space<vmem>>
    %dma_start3A_191 = arith.constant 0 : i32
    %dma_start3A_192 = tpu.memref_slice %arg8[%dma_start3A_191] : memref<1048576xf32, #tpu.memory_space<vmem_shared>> -> memref<1048576xf32, #tpu.memory_space<vmem_shared>>
    tpu.enqueue_indirect_dma source(%arg6 : memref<128xf32, #tpu.memory_space<vmem>>) target(%dma_start3A_192 : memref<1048576xf32, #tpu.memory_space<vmem_shared>>) offsets(%dma_start3A_190 : memref<128xi32, #tpu.memory_space<vmem>>) semaphore(%arg9 : memref<!tpu.dma_semaphore, #tpu.memory_space<semaphore_mem>>) {add = true}
    %dma_start3A_193 = arith.constant 15 : i32
    %dma_start3A_194 = arith.constant 0 : i32
    %dma_start3A_195 = tpu.memref_slice %arg4[%dma_start3A_193, %dma_start3A_194] : memref<200x128xi32, #tpu.memory_space<vmem>> -> memref<1x128xi32, #tpu.memory_space<vmem>>
    %dma_start3A_196 = tpu.memref_squeeze %dma_start3A_195 : memref<1x128xi32, #tpu.memory_space<vmem>> -> memref<128xi32, #tpu.memory_space<vmem>>
    %dma_start3A_197 = arith.constant 0 : i32
    %dma_start3A_198 = tpu.memref_slice %arg8[%dma_start3A_197] : memref<1048576xf32, #tpu.memory_space<vmem_shared>> -> memref<1048576xf32, #tpu.memory_space<vmem_shared>>
    tpu.enqueue_indirect_dma source(%arg6 : memref<128xf32, #tpu.memory_space<vmem>>) target(%dma_start3A_198 : memref<1048576xf32, #tpu.memory_space<vmem_shared>>) offsets(%dma_start3A_196 : memref<128xi32, #tpu.memory_space<vmem>>) semaphore(%arg9 : memref<!tpu.dma_semaphore, #tpu.memory_space<semaphore_mem>>) {add = true}
    %scan3A_199 = arith.constant 0 : i32
    %scan3A_200 = arith.constant 0 : i32
    %scan3A_201 = arith.constant 23 : i32
    %scan3A_202 = arith.addi %scan3A_200, %scan3A_201 : i32
    %scan3A_203 = arith.constant 1 : i32
    %scan3A_204 = scf.for %scan3A_653 = %scan3A_200 to %scan3A_202 step %scan3A_203 iter_args(%scan3A_654 = %scan3A_199) -> (i32)  : i32 {
      %add3A_655 = arith.constant 2 : i32
      %add3A_656 = arith.addi %scan3A_653, %add3A_655 : i32
      %mul3A_657 = arith.constant 8 : i32
      %mul3A_658 = arith.muli %add3A_656, %mul3A_657 : i32
      %add3A_659 = arith.constant 0 : i32
      %add3A_660 = arith.addi %mul3A_658, %add3A_659 : i32
      %dma_start3A_661 = arith.constant 0 : i32
      %dma_start3A_662 = tpu.memref_slice %arg4[%add3A_660, %dma_start3A_661] : memref<200x128xi32, #tpu.memory_space<vmem>> -> memref<1x128xi32, #tpu.memory_space<vmem>>
      %dma_start3A_663 = tpu.memref_squeeze %dma_start3A_662 : memref<1x128xi32, #tpu.memory_space<vmem>> -> memref<128xi32, #tpu.memory_space<vmem>>
      %dma_start3A_664 = arith.constant 0 : i32
      %dma_start3A_665 = tpu.memref_slice %arg8[%dma_start3A_664] : memref<1048576xf32, #tpu.memory_space<vmem_shared>> -> memref<1048576xf32, #tpu.memory_space<vmem_shared>>
      tpu.enqueue_indirect_dma source(%arg6 : memref<128xf32, #tpu.memory_space<vmem>>) target(%dma_start3A_665 : memref<1048576xf32, #tpu.memory_space<vmem_shared>>) offsets(%dma_start3A_663 : memref<128xi32, #tpu.memory_space<vmem>>) semaphore(%arg9 : memref<!tpu.dma_semaphore, #tpu.memory_space<semaphore_mem>>) {add = true}
      %mul3A_666 = arith.constant 8 : i32
      %mul3A_667 = arith.muli %add3A_656, %mul3A_666 : i32
      %add3A_668 = arith.constant 1 : i32
      %add3A_669 = arith.addi %mul3A_667, %add3A_668 : i32
      %dma_start3A_670 = arith.constant 0 : i32
      %dma_start3A_671 = tpu.memref_slice %arg4[%add3A_669, %dma_start3A_670] : memref<200x128xi32, #tpu.memory_space<vmem>> -> memref<1x128xi32, #tpu.memory_space<vmem>>
      %dma_start3A_672 = tpu.memref_squeeze %dma_start3A_671 : memref<1x128xi32, #tpu.memory_space<vmem>> -> memref<128xi32, #tpu.memory_space<vmem>>
      %dma_start3A_673 = arith.constant 0 : i32
      %dma_start3A_674 = tpu.memref_slice %arg8[%dma_start3A_673] : memref<1048576xf32, #tpu.memory_space<vmem_shared>> -> memref<1048576xf32, #tpu.memory_space<vmem_shared>>
      tpu.enqueue_indirect_dma source(%arg6 : memref<128xf32, #tpu.memory_space<vmem>>) target(%dma_start3A_674 : memref<1048576xf32, #tpu.memory_space<vmem_shared>>) offsets(%dma_start3A_672 : memref<128xi32, #tpu.memory_space<vmem>>) semaphore(%arg9 : memref<!tpu.dma_semaphore, #tpu.memory_space<semaphore_mem>>) {add = true}
      %mul3A_675 = arith.constant 8 : i32
      %mul3A_676 = arith.muli %add3A_656, %mul3A_675 : i32
      %add3A_677 = arith.constant 2 : i32
      %add3A_678 = arith.addi %mul3A_676, %add3A_677 : i32
      %dma_start3A_679 = arith.constant 0 : i32
      %dma_start3A_680 = tpu.memref_slice %arg4[%add3A_678, %dma_start3A_679] : memref<200x128xi32, #tpu.memory_space<vmem>> -> memref<1x128xi32, #tpu.memory_space<vmem>>
      %dma_start3A_681 = tpu.memref_squeeze %dma_start3A_680 : memref<1x128xi32, #tpu.memory_space<vmem>> -> memref<128xi32, #tpu.memory_space<vmem>>
      %dma_start3A_682 = arith.constant 0 : i32
      %dma_start3A_683 = tpu.memref_slice %arg8[%dma_start3A_682] : memref<1048576xf32, #tpu.memory_space<vmem_shared>> -> memref<1048576xf32, #tpu.memory_space<vmem_shared>>
      tpu.enqueue_indirect_dma source(%arg6 : memref<128xf32, #tpu.memory_space<vmem>>) target(%dma_start3A_683 : memref<1048576xf32, #tpu.memory_space<vmem_shared>>) offsets(%dma_start3A_681 : memref<128xi32, #tpu.memory_space<vmem>>) semaphore(%arg9 : memref<!tpu.dma_semaphore, #tpu.memory_space<semaphore_mem>>) {add = true}
      %mul3A_684 = arith.constant 8 : i32
      %mul3A_685 = arith.muli %add3A_656, %mul3A_684 : i32
      %add3A_686 = arith.constant 3 : i32
      %add3A_687 = arith.addi %mul3A_685, %add3A_686 : i32
      %dma_start3A_688 = arith.constant 0 : i32
      %dma_start3A_689 = tpu.memref_slice %arg4[%add3A_687, %dma_start3A_688] : memref<200x128xi32, #tpu.memory_space<vmem>> -> memref<1x128xi32, #tpu.memory_space<vmem>>
      %dma_start3A_690 = tpu.memref_squeeze %dma_start3A_689 : memref<1x128xi32, #tpu.memory_space<vmem>> -> memref<128xi32, #tpu.memory_space<vmem>>
      %dma_start3A_691 = arith.constant 0 : i32
      %dma_start3A_692 = tpu.memref_slice %arg8[%dma_start3A_691] : memref<1048576xf32, #tpu.memory_space<vmem_shared>> -> memref<1048576xf32, #tpu.memory_space<vmem_shared>>
      tpu.enqueue_indirect_dma source(%arg6 : memref<128xf32, #tpu.memory_space<vmem>>) target(%dma_start3A_692 : memref<1048576xf32, #tpu.memory_space<vmem_shared>>) offsets(%dma_start3A_690 : memref<128xi32, #tpu.memory_space<vmem>>) semaphore(%arg9 : memref<!tpu.dma_semaphore, #tpu.memory_space<semaphore_mem>>) {add = true}
      %mul3A_693 = arith.constant 8 : i32
      %mul3A_694 = arith.muli %add3A_656, %mul3A_693 : i32
      %add3A_695 = arith.constant 4 : i32
      %add3A_696 = arith.addi %mul3A_694, %add3A_695 : i32
      %dma_start3A_697 = arith.constant 0 : i32
      %dma_start3A_698 = tpu.memref_slice %arg4[%add3A_696, %dma_start3A_697] : memref<200x128xi32, #tpu.memory_space<vmem>> -> memref<1x128xi32, #tpu.memory_space<vmem>>
      %dma_start3A_699 = tpu.memref_squeeze %dma_start3A_698 : memref<1x128xi32, #tpu.memory_space<vmem>> -> memref<128xi32, #tpu.memory_space<vmem>>
      %dma_start3A_700 = arith.constant 0 : i32
      %dma_start3A_701 = tpu.memref_slice %arg8[%dma_start3A_700] : memref<1048576xf32, #tpu.memory_space<vmem_shared>> -> memref<1048576xf32, #tpu.memory_space<vmem_shared>>
      tpu.enqueue_indirect_dma source(%arg6 : memref<128xf32, #tpu.memory_space<vmem>>) target(%dma_start3A_701 : memref<1048576xf32, #tpu.memory_space<vmem_shared>>) offsets(%dma_start3A_699 : memref<128xi32, #tpu.memory_space<vmem>>) semaphore(%arg9 : memref<!tpu.dma_semaphore, #tpu.memory_space<semaphore_mem>>) {add = true}
      %mul3A_702 = arith.constant 8 : i32
      %mul3A_703 = arith.muli %add3A_656, %mul3A_702 : i32
      %add3A_704 = arith.constant 5 : i32
      %add3A_705 = arith.addi %mul3A_703, %add3A_704 : i32
      %dma_start3A_706 = arith.constant 0 : i32
      %dma_start3A_707 = tpu.memref_slice %arg4[%add3A_705, %dma_start3A_706] : memref<200x128xi32, #tpu.memory_space<vmem>> -> memref<1x128xi32, #tpu.memory_space<vmem>>
      %dma_start3A_708 = tpu.memref_squeeze %dma_start3A_707 : memref<1x128xi32, #tpu.memory_space<vmem>> -> memref<128xi32, #tpu.memory_space<vmem>>
      %dma_start3A_709 = arith.constant 0 : i32
      %dma_start3A_710 = tpu.memref_slice %arg8[%dma_start3A_709] : memref<1048576xf32, #tpu.memory_space<vmem_shared>> -> memref<1048576xf32, #tpu.memory_space<vmem_shared>>
      tpu.enqueue_indirect_dma source(%arg6 : memref<128xf32, #tpu.memory_space<vmem>>) target(%dma_start3A_710 : memref<1048576xf32, #tpu.memory_space<vmem_shared>>) offsets(%dma_start3A_708 : memref<128xi32, #tpu.memory_space<vmem>>) semaphore(%arg9 : memref<!tpu.dma_semaphore, #tpu.memory_space<semaphore_mem>>) {add = true}
      %mul3A_711 = arith.constant 8 : i32
      %mul3A_712 = arith.muli %add3A_656, %mul3A_711 : i32
      %add3A_713 = arith.constant 6 : i32
      %add3A_714 = arith.addi %mul3A_712, %add3A_713 : i32
      %dma_start3A_715 = arith.constant 0 : i32
      %dma_start3A_716 = tpu.memref_slice %arg4[%add3A_714, %dma_start3A_715] : memref<200x128xi32, #tpu.memory_space<vmem>> -> memref<1x128xi32, #tpu.memory_space<vmem>>
      %dma_start3A_717 = tpu.memref_squeeze %dma_start3A_716 : memref<1x128xi32, #tpu.memory_space<vmem>> -> memref<128xi32, #tpu.memory_space<vmem>>
      %dma_start3A_718 = arith.constant 0 : i32
      %dma_start3A_719 = tpu.memref_slice %arg8[%dma_start3A_718] : memref<1048576xf32, #tpu.memory_space<vmem_shared>> -> memref<1048576xf32, #tpu.memory_space<vmem_shared>>
      tpu.enqueue_indirect_dma source(%arg6 : memref<128xf32, #tpu.memory_space<vmem>>) target(%dma_start3A_719 : memref<1048576xf32, #tpu.memory_space<vmem_shared>>) offsets(%dma_start3A_717 : memref<128xi32, #tpu.memory_space<vmem>>) semaphore(%arg9 : memref<!tpu.dma_semaphore, #tpu.memory_space<semaphore_mem>>) {add = true}
      %mul3A_720 = arith.constant 8 : i32
      %mul3A_721 = arith.muli %add3A_656, %mul3A_720 : i32
      %add3A_722 = arith.constant 7 : i32
      %add3A_723 = arith.addi %mul3A_721, %add3A_722 : i32
      %dma_start3A_724 = arith.constant 0 : i32
      %dma_start3A_725 = tpu.memref_slice %arg4[%add3A_723, %dma_start3A_724] : memref<200x128xi32, #tpu.memory_space<vmem>> -> memref<1x128xi32, #tpu.memory_space<vmem>>
      %dma_start3A_726 = tpu.memref_squeeze %dma_start3A_725 : memref<1x128xi32, #tpu.memory_space<vmem>> -> memref<128xi32, #tpu.memory_space<vmem>>
      %dma_start3A_727 = arith.constant 0 : i32
      %dma_start3A_728 = tpu.memref_slice %arg8[%dma_start3A_727] : memref<1048576xf32, #tpu.memory_space<vmem_shared>> -> memref<1048576xf32, #tpu.memory_space<vmem_shared>>
      tpu.enqueue_indirect_dma source(%arg6 : memref<128xf32, #tpu.memory_space<vmem>>) target(%dma_start3A_728 : memref<1048576xf32, #tpu.memory_space<vmem_shared>>) offsets(%dma_start3A_726 : memref<128xi32, #tpu.memory_space<vmem>>) semaphore(%arg9 : memref<!tpu.dma_semaphore, #tpu.memory_space<semaphore_mem>>) {add = true}
      %dma_wait3A_729 = arith.constant 0 : i32
      %dma_wait3A_730 = arith.constant 0 : i32
      %dma_wait3A_731 = tpu.memref_slice %arg7[%dma_wait3A_730] : memref<8192xf32, #tpu.memory_space<vmem>> -> memref<1024xf32, #tpu.memory_space<vmem>>
      %dma_wait3A_732 = arith.constant 0 : i32
      %dma_wait3A_733 = tpu.memref_slice %arg3[%dma_wait3A_729, %dma_wait3A_732] : memref<2x1048576xf32, #tpu.memory_space<hbm>> -> memref<1x1024xf32, #tpu.memory_space<hbm>>
      %dma_wait3A_734 = tpu.memref_squeeze %dma_wait3A_733 : memref<1x1024xf32, #tpu.memory_space<hbm>> -> memref<1024xf32, #tpu.memory_space<hbm>>
      %dma_wait3A_735 = arith.constant 0 : i32
      %dma_wait3A_736 = tpu.memref_slice %arg7[%dma_wait3A_735] : memref<8192xf32, #tpu.memory_space<vmem>> -> memref<1024xf32, #tpu.memory_space<vmem>>
      %dma_wait3A_737 = arith.constant 0 : i32
      %dma_wait3A_738 = tpu.memref_slice %arg3[%dma_wait3A_729, %dma_wait3A_737] : memref<2x1048576xf32, #tpu.memory_space<hbm>> -> memref<1x1024xf32, #tpu.memory_space<hbm>>
      %dma_wait3A_739 = tpu.memref_squeeze %dma_wait3A_738 : memref<1x1024xf32, #tpu.memory_space<hbm>> -> memref<1024xf32, #tpu.memory_space<hbm>>
      tpu.wait_dma2 semaphore(%arg9 : memref<!tpu.dma_semaphore, #tpu.memory_space<semaphore_mem>>) src(%dma_wait3A_739 : memref<1024xf32, #tpu.memory_space<hbm>>) dst(%dma_wait3A_736 : memref<1024xf32, #tpu.memory_space<vmem>>)
      %scan3A_740 = arith.constant 0 : i32
      scf.yield %scan3A_740 : i32
    }
    %scan3A_205 = arith.constant 23 : i32
    %dma_wait3A_206 = arith.constant 0 : i32
    %dma_wait3A_207 = arith.constant 0 : i32
    %dma_wait3A_208 = tpu.memref_slice %arg7[%dma_wait3A_207] : memref<8192xf32, #tpu.memory_space<vmem>> -> memref<1024xf32, #tpu.memory_space<vmem>>
    %dma_wait3A_209 = arith.constant 0 : i32
    %dma_wait3A_210 = tpu.memref_slice %arg3[%dma_wait3A_206, %dma_wait3A_209] : memref<2x1048576xf32, #tpu.memory_space<hbm>> -> memref<1x1024xf32, #tpu.memory_space<hbm>>
    %dma_wait3A_211 = tpu.memref_squeeze %dma_wait3A_210 : memref<1x1024xf32, #tpu.memory_space<hbm>> -> memref<1024xf32, #tpu.memory_space<hbm>>
    %dma_wait3A_212 = arith.constant 0 : i32
    %dma_wait3A_213 = tpu.memref_slice %arg7[%dma_wait3A_212] : memref<8192xf32, #tpu.memory_space<vmem>> -> memref<1024xf32, #tpu.memory_space<vmem>>
    %dma_wait3A_214 = arith.constant 0 : i32
    %dma_wait3A_215 = tpu.memref_slice %arg3[%dma_wait3A_206, %dma_wait3A_214] : memref<2x1048576xf32, #tpu.memory_space<hbm>> -> memref<1x1024xf32, #tpu.memory_space<hbm>>
    %dma_wait3A_216 = tpu.memref_squeeze %dma_wait3A_215 : memref<1x1024xf32, #tpu.memory_space<hbm>> -> memref<1024xf32, #tpu.memory_space<hbm>>
    tpu.wait_dma2 semaphore(%arg9 : memref<!tpu.dma_semaphore, #tpu.memory_space<semaphore_mem>>) src(%dma_wait3A_216 : memref<1024xf32, #tpu.memory_space<hbm>>) dst(%dma_wait3A_213 : memref<1024xf32, #tpu.memory_space<vmem>>)
    %dma_wait3A_217 = arith.constant 0 : i32
    %dma_wait3A_218 = arith.constant 0 : i32
    %dma_wait3A_219 = tpu.memref_slice %arg7[%dma_wait3A_218] : memref<8192xf32, #tpu.memory_space<vmem>> -> memref<1024xf32, #tpu.memory_space<vmem>>
    %dma_wait3A_220 = arith.constant 0 : i32
    %dma_wait3A_221 = tpu.memref_slice %arg3[%dma_wait3A_217, %dma_wait3A_220] : memref<2x1048576xf32, #tpu.memory_space<hbm>> -> memref<1x1024xf32, #tpu.memory_space<hbm>>
    %dma_wait3A_222 = tpu.memref_squeeze %dma_wait3A_221 : memref<1x1024xf32, #tpu.memory_space<hbm>> -> memref<1024xf32, #tpu.memory_space<hbm>>
    %dma_wait3A_223 = arith.constant 0 : i32
    %dma_wait3A_224 = tpu.memref_slice %arg7[%dma_wait3A_223] : memref<8192xf32, #tpu.memory_space<vmem>> -> memref<1024xf32, #tpu.memory_space<vmem>>
    %dma_wait3A_225 = arith.constant 0 : i32
    %dma_wait3A_226 = tpu.memref_slice %arg3[%dma_wait3A_217, %dma_wait3A_225] : memref<2x1048576xf32, #tpu.memory_space<hbm>> -> memref<1x1024xf32, #tpu.memory_space<hbm>>
    %dma_wait3A_227 = tpu.memref_squeeze %dma_wait3A_226 : memref<1x1024xf32, #tpu.memory_space<hbm>> -> memref<1024xf32, #tpu.memory_space<hbm>>
    tpu.wait_dma2 semaphore(%arg9 : memref<!tpu.dma_semaphore, #tpu.memory_space<semaphore_mem>>) src(%dma_wait3A_227 : memref<1024xf32, #tpu.memory_space<hbm>>) dst(%dma_wait3A_224 : memref<1024xf32, #tpu.memory_space<vmem>>)
    %dma_wait3A_228 = arith.constant 1 : i32
    %dma_wait3A_229 = arith.constant 0 : i32
    %dma_wait3A_230 = arith.constant 0 : i32
    %dma_wait3A_231 = tpu.memref_slice %arg2[%add3A, %dma_wait3A_228, %dma_wait3A_229, %dma_wait3A_230] : memref<32x4x200x128xi32, #tpu.memory_space<hbm>> -> memref<1x1x200x128xi32, #tpu.memory_space<hbm>>
    %dma_wait3A_232 = tpu.memref_squeeze %dma_wait3A_231 : memref<1x1x200x128xi32, #tpu.memory_space<hbm>> -> memref<200x128xi32, #tpu.memory_space<hbm>>
    %dma_wait3A_233 = arith.constant 0 : i32
    %dma_wait3A_234 = arith.constant 0 : i32
    %dma_wait3A_235 = tpu.memref_slice %arg2[%add3A, %dma_wait3A_228, %dma_wait3A_233, %dma_wait3A_234] : memref<32x4x200x128xi32, #tpu.memory_space<hbm>> -> memref<1x1x200x128xi32, #tpu.memory_space<hbm>>
    %dma_wait3A_236 = tpu.memref_squeeze %dma_wait3A_235 : memref<1x1x200x128xi32, #tpu.memory_space<hbm>> -> memref<200x128xi32, #tpu.memory_space<hbm>>
    tpu.wait_dma2 semaphore(%arg11 : memref<!tpu.dma_semaphore, #tpu.memory_space<semaphore_mem>>) src(%dma_wait3A_236 : memref<200x128xi32, #tpu.memory_space<hbm>>) dst(%arg5 : memref<200x128xi32, #tpu.memory_space<vmem>>)
    %dma_start3A_237 = arith.constant 2 : i32
    %dma_start3A_238 = arith.constant 0 : i32
    %dma_start3A_239 = arith.constant 0 : i32
    %dma_start3A_240 = tpu.memref_slice %arg2[%add3A, %dma_start3A_237, %dma_start3A_238, %dma_start3A_239] : memref<32x4x200x128xi32, #tpu.memory_space<hbm>> -> memref<1x1x200x128xi32, #tpu.memory_space<hbm>>
    %dma_start3A_241 = tpu.memref_squeeze %dma_start3A_240 : memref<1x1x200x128xi32, #tpu.memory_space<hbm>> -> memref<200x128xi32, #tpu.memory_space<hbm>>
    %dma_start3A_242 = arith.constant 0 : i32
    %dma_start3A_243 = arith.constant 0 : i32
    %dma_start3A_244 = tpu.memref_slice %arg2[%add3A, %dma_start3A_237, %dma_start3A_242, %dma_start3A_243] : memref<32x4x200x128xi32, #tpu.memory_space<hbm>> -> memref<1x1x200x128xi32, #tpu.memory_space<hbm>>
    %dma_start3A_245 = tpu.memref_squeeze %dma_start3A_244 : memref<1x1x200x128xi32, #tpu.memory_space<hbm>> -> memref<200x128xi32, #tpu.memory_space<hbm>>
    tpu.enqueue_dma source(%dma_start3A_245 : memref<200x128xi32, #tpu.memory_space<hbm>>) target(%arg4 : memref<200x128xi32, #tpu.memory_space<vmem>>) target_semaphore(%arg11 : memref<!tpu.dma_semaphore, #tpu.memory_space<semaphore_mem>>)
    %dma_start3A_246 = arith.constant 0 : i32
    %dma_start3A_247 = arith.constant 0 : i32
    %dma_start3A_248 = tpu.memref_slice %arg5[%dma_start3A_246, %dma_start3A_247] : memref<200x128xi32, #tpu.memory_space<vmem>> -> memref<1x128xi32, #tpu.memory_space<vmem>>
    %dma_start3A_249 = tpu.memref_squeeze %dma_start3A_248 : memref<1x128xi32, #tpu.memory_space<vmem>> -> memref<128xi32, #tpu.memory_space<vmem>>
    %dma_start3A_250 = arith.constant 0 : i32
    %dma_start3A_251 = tpu.memref_slice %arg8[%dma_start3A_250] : memref<1048576xf32, #tpu.memory_space<vmem_shared>> -> memref<1048576xf32, #tpu.memory_space<vmem_shared>>
    tpu.enqueue_indirect_dma source(%arg6 : memref<128xf32, #tpu.memory_space<vmem>>) target(%dma_start3A_251 : memref<1048576xf32, #tpu.memory_space<vmem_shared>>) offsets(%dma_start3A_249 : memref<128xi32, #tpu.memory_space<vmem>>) semaphore(%arg9 : memref<!tpu.dma_semaphore, #tpu.memory_space<semaphore_mem>>) {add = true}
    %dma_start3A_252 = arith.constant 1 : i32
    %dma_start3A_253 = arith.constant 0 : i32
    %dma_start3A_254 = tpu.memref_slice %arg5[%dma_start3A_252, %dma_start3A_253] : memref<200x128xi32, #tpu.memory_space<vmem>> -> memref<1x128xi32, #tpu.memory_space<vmem>>
    %dma_start3A_255 = tpu.memref_squeeze %dma_start3A_254 : memref<1x128xi32, #tpu.memory_space<vmem>> -> memref<128xi32, #tpu.memory_space<vmem>>
    %dma_start3A_256 = arith.constant 0 : i32
    %dma_start3A_257 = tpu.memref_slice %arg8[%dma_start3A_256] : memref<1048576xf32, #tpu.memory_space<vmem_shared>> -> memref<1048576xf32, #tpu.memory_space<vmem_shared>>
    tpu.enqueue_indirect_dma source(%arg6 : memref<128xf32, #tpu.memory_space<vmem>>) target(%dma_start3A_257 : memref<1048576xf32, #tpu.memory_space<vmem_shared>>) offsets(%dma_start3A_255 : memref<128xi32, #tpu.memory_space<vmem>>) semaphore(%arg9 : memref<!tpu.dma_semaphore, #tpu.memory_space<semaphore_mem>>) {add = true}
    %dma_start3A_258 = arith.constant 2 : i32
    %dma_start3A_259 = arith.constant 0 : i32
    %dma_start3A_260 = tpu.memref_slice %arg5[%dma_start3A_258, %dma_start3A_259] : memref<200x128xi32, #tpu.memory_space<vmem>> -> memref<1x128xi32, #tpu.memory_space<vmem>>
    %dma_start3A_261 = tpu.memref_squeeze %dma_start3A_260 : memref<1x128xi32, #tpu.memory_space<vmem>> -> memref<128xi32, #tpu.memory_space<vmem>>
    %dma_start3A_262 = arith.constant 0 : i32
    %dma_start3A_263 = tpu.memref_slice %arg8[%dma_start3A_262] : memref<1048576xf32, #tpu.memory_space<vmem_shared>> -> memref<1048576xf32, #tpu.memory_space<vmem_shared>>
    tpu.enqueue_indirect_dma source(%arg6 : memref<128xf32, #tpu.memory_space<vmem>>) target(%dma_start3A_263 : memref<1048576xf32, #tpu.memory_space<vmem_shared>>) offsets(%dma_start3A_261 : memref<128xi32, #tpu.memory_space<vmem>>) semaphore(%arg9 : memref<!tpu.dma_semaphore, #tpu.memory_space<semaphore_mem>>) {add = true}
    %dma_start3A_264 = arith.constant 3 : i32
    %dma_start3A_265 = arith.constant 0 : i32
    %dma_start3A_266 = tpu.memref_slice %arg5[%dma_start3A_264, %dma_start3A_265] : memref<200x128xi32, #tpu.memory_space<vmem>> -> memref<1x128xi32, #tpu.memory_space<vmem>>
    %dma_start3A_267 = tpu.memref_squeeze %dma_start3A_266 : memref<1x128xi32, #tpu.memory_space<vmem>> -> memref<128xi32, #tpu.memory_space<vmem>>
    %dma_start3A_268 = arith.constant 0 : i32
    %dma_start3A_269 = tpu.memref_slice %arg8[%dma_start3A_268] : memref<1048576xf32, #tpu.memory_space<vmem_shared>> -> memref<1048576xf32, #tpu.memory_space<vmem_shared>>
    tpu.enqueue_indirect_dma source(%arg6 : memref<128xf32, #tpu.memory_space<vmem>>) target(%dma_start3A_269 : memref<1048576xf32, #tpu.memory_space<vmem_shared>>) offsets(%dma_start3A_267 : memref<128xi32, #tpu.memory_space<vmem>>) semaphore(%arg9 : memref<!tpu.dma_semaphore, #tpu.memory_space<semaphore_mem>>) {add = true}
    %dma_start3A_270 = arith.constant 4 : i32
    %dma_start3A_271 = arith.constant 0 : i32
    %dma_start3A_272 = tpu.memref_slice %arg5[%dma_start3A_270, %dma_start3A_271] : memref<200x128xi32, #tpu.memory_space<vmem>> -> memref<1x128xi32, #tpu.memory_space<vmem>>
    %dma_start3A_273 = tpu.memref_squeeze %dma_start3A_272 : memref<1x128xi32, #tpu.memory_space<vmem>> -> memref<128xi32, #tpu.memory_space<vmem>>
    %dma_start3A_274 = arith.constant 0 : i32
    %dma_start3A_275 = tpu.memref_slice %arg8[%dma_start3A_274] : memref<1048576xf32, #tpu.memory_space<vmem_shared>> -> memref<1048576xf32, #tpu.memory_space<vmem_shared>>
    tpu.enqueue_indirect_dma source(%arg6 : memref<128xf32, #tpu.memory_space<vmem>>) target(%dma_start3A_275 : memref<1048576xf32, #tpu.memory_space<vmem_shared>>) offsets(%dma_start3A_273 : memref<128xi32, #tpu.memory_space<vmem>>) semaphore(%arg9 : memref<!tpu.dma_semaphore, #tpu.memory_space<semaphore_mem>>) {add = true}
    %dma_start3A_276 = arith.constant 5 : i32
    %dma_start3A_277 = arith.constant 0 : i32
    %dma_start3A_278 = tpu.memref_slice %arg5[%dma_start3A_276, %dma_start3A_277] : memref<200x128xi32, #tpu.memory_space<vmem>> -> memref<1x128xi32, #tpu.memory_space<vmem>>
    %dma_start3A_279 = tpu.memref_squeeze %dma_start3A_278 : memref<1x128xi32, #tpu.memory_space<vmem>> -> memref<128xi32, #tpu.memory_space<vmem>>
    %dma_start3A_280 = arith.constant 0 : i32
    %dma_start3A_281 = tpu.memref_slice %arg8[%dma_start3A_280] : memref<1048576xf32, #tpu.memory_space<vmem_shared>> -> memref<1048576xf32, #tpu.memory_space<vmem_shared>>
    tpu.enqueue_indirect_dma source(%arg6 : memref<128xf32, #tpu.memory_space<vmem>>) target(%dma_start3A_281 : memref<1048576xf32, #tpu.memory_space<vmem_shared>>) offsets(%dma_start3A_279 : memref<128xi32, #tpu.memory_space<vmem>>) semaphore(%arg9 : memref<!tpu.dma_semaphore, #tpu.memory_space<semaphore_mem>>) {add = true}
    %dma_start3A_282 = arith.constant 6 : i32
    %dma_start3A_283 = arith.constant 0 : i32
    %dma_start3A_284 = tpu.memref_slice %arg5[%dma_start3A_282, %dma_start3A_283] : memref<200x128xi32, #tpu.memory_space<vmem>> -> memref<1x128xi32, #tpu.memory_space<vmem>>
    %dma_start3A_285 = tpu.memref_squeeze %dma_start3A_284 : memref<1x128xi32, #tpu.memory_space<vmem>> -> memref<128xi32, #tpu.memory_space<vmem>>
    %dma_start3A_286 = arith.constant 0 : i32
    %dma_start3A_287 = tpu.memref_slice %arg8[%dma_start3A_286] : memref<1048576xf32, #tpu.memory_space<vmem_shared>> -> memref<1048576xf32, #tpu.memory_space<vmem_shared>>
    tpu.enqueue_indirect_dma source(%arg6 : memref<128xf32, #tpu.memory_space<vmem>>) target(%dma_start3A_287 : memref<1048576xf32, #tpu.memory_space<vmem_shared>>) offsets(%dma_start3A_285 : memref<128xi32, #tpu.memory_space<vmem>>) semaphore(%arg9 : memref<!tpu.dma_semaphore, #tpu.memory_space<semaphore_mem>>) {add = true}
    %dma_start3A_288 = arith.constant 7 : i32
    %dma_start3A_289 = arith.constant 0 : i32
    %dma_start3A_290 = tpu.memref_slice %arg5[%dma_start3A_288, %dma_start3A_289] : memref<200x128xi32, #tpu.memory_space<vmem>> -> memref<1x128xi32, #tpu.memory_space<vmem>>
    %dma_start3A_291 = tpu.memref_squeeze %dma_start3A_290 : memref<1x128xi32, #tpu.memory_space<vmem>> -> memref<128xi32, #tpu.memory_space<vmem>>
    %dma_start3A_292 = arith.constant 0 : i32
    %dma_start3A_293 = tpu.memref_slice %arg8[%dma_start3A_292] : memref<1048576xf32, #tpu.memory_space<vmem_shared>> -> memref<1048576xf32, #tpu.memory_space<vmem_shared>>
    tpu.enqueue_indirect_dma source(%arg6 : memref<128xf32, #tpu.memory_space<vmem>>) target(%dma_start3A_293 : memref<1048576xf32, #tpu.memory_space<vmem_shared>>) offsets(%dma_start3A_291 : memref<128xi32, #tpu.memory_space<vmem>>) semaphore(%arg9 : memref<!tpu.dma_semaphore, #tpu.memory_space<semaphore_mem>>) {add = true}
    %dma_start3A_294 = arith.constant 8 : i32
    %dma_start3A_295 = arith.constant 0 : i32
    %dma_start3A_296 = tpu.memref_slice %arg5[%dma_start3A_294, %dma_start3A_295] : memref<200x128xi32, #tpu.memory_space<vmem>> -> memref<1x128xi32, #tpu.memory_space<vmem>>
    %dma_start3A_297 = tpu.memref_squeeze %dma_start3A_296 : memref<1x128xi32, #tpu.memory_space<vmem>> -> memref<128xi32, #tpu.memory_space<vmem>>
    %dma_start3A_298 = arith.constant 0 : i32
    %dma_start3A_299 = tpu.memref_slice %arg8[%dma_start3A_298] : memref<1048576xf32, #tpu.memory_space<vmem_shared>> -> memref<1048576xf32, #tpu.memory_space<vmem_shared>>
    tpu.enqueue_indirect_dma source(%arg6 : memref<128xf32, #tpu.memory_space<vmem>>) target(%dma_start3A_299 : memref<1048576xf32, #tpu.memory_space<vmem_shared>>) offsets(%dma_start3A_297 : memref<128xi32, #tpu.memory_space<vmem>>) semaphore(%arg9 : memref<!tpu.dma_semaphore, #tpu.memory_space<semaphore_mem>>) {add = true}
    %dma_start3A_300 = arith.constant 9 : i32
    %dma_start3A_301 = arith.constant 0 : i32
    %dma_start3A_302 = tpu.memref_slice %arg5[%dma_start3A_300, %dma_start3A_301] : memref<200x128xi32, #tpu.memory_space<vmem>> -> memref<1x128xi32, #tpu.memory_space<vmem>>
    %dma_start3A_303 = tpu.memref_squeeze %dma_start3A_302 : memref<1x128xi32, #tpu.memory_space<vmem>> -> memref<128xi32, #tpu.memory_space<vmem>>
    %dma_start3A_304 = arith.constant 0 : i32
    %dma_start3A_305 = tpu.memref_slice %arg8[%dma_start3A_304] : memref<1048576xf32, #tpu.memory_space<vmem_shared>> -> memref<1048576xf32, #tpu.memory_space<vmem_shared>>
    tpu.enqueue_indirect_dma source(%arg6 : memref<128xf32, #tpu.memory_space<vmem>>) target(%dma_start3A_305 : memref<1048576xf32, #tpu.memory_space<vmem_shared>>) offsets(%dma_start3A_303 : memref<128xi32, #tpu.memory_space<vmem>>) semaphore(%arg9 : memref<!tpu.dma_semaphore, #tpu.memory_space<semaphore_mem>>) {add = true}
    %dma_start3A_306 = arith.constant 10 : i32
    %dma_start3A_307 = arith.constant 0 : i32
    %dma_start3A_308 = tpu.memref_slice %arg5[%dma_start3A_306, %dma_start3A_307] : memref<200x128xi32, #tpu.memory_space<vmem>> -> memref<1x128xi32, #tpu.memory_space<vmem>>
    %dma_start3A_309 = tpu.memref_squeeze %dma_start3A_308 : memref<1x128xi32, #tpu.memory_space<vmem>> -> memref<128xi32, #tpu.memory_space<vmem>>
    %dma_start3A_310 = arith.constant 0 : i32
    %dma_start3A_311 = tpu.memref_slice %arg8[%dma_start3A_310] : memref<1048576xf32, #tpu.memory_space<vmem_shared>> -> memref<1048576xf32, #tpu.memory_space<vmem_shared>>
    tpu.enqueue_indirect_dma source(%arg6 : memref<128xf32, #tpu.memory_space<vmem>>) target(%dma_start3A_311 : memref<1048576xf32, #tpu.memory_space<vmem_shared>>) offsets(%dma_start3A_309 : memref<128xi32, #tpu.memory_space<vmem>>) semaphore(%arg9 : memref<!tpu.dma_semaphore, #tpu.memory_space<semaphore_mem>>) {add = true}
    %dma_start3A_312 = arith.constant 11 : i32
    %dma_start3A_313 = arith.constant 0 : i32
    %dma_start3A_314 = tpu.memref_slice %arg5[%dma_start3A_312, %dma_start3A_313] : memref<200x128xi32, #tpu.memory_space<vmem>> -> memref<1x128xi32, #tpu.memory_space<vmem>>
    %dma_start3A_315 = tpu.memref_squeeze %dma_start3A_314 : memref<1x128xi32, #tpu.memory_space<vmem>> -> memref<128xi32, #tpu.memory_space<vmem>>
    %dma_start3A_316 = arith.constant 0 : i32
    %dma_start3A_317 = tpu.memref_slice %arg8[%dma_start3A_316] : memref<1048576xf32, #tpu.memory_space<vmem_shared>> -> memref<1048576xf32, #tpu.memory_space<vmem_shared>>
    tpu.enqueue_indirect_dma source(%arg6 : memref<128xf32, #tpu.memory_space<vmem>>) target(%dma_start3A_317 : memref<1048576xf32, #tpu.memory_space<vmem_shared>>) offsets(%dma_start3A_315 : memref<128xi32, #tpu.memory_space<vmem>>) semaphore(%arg9 : memref<!tpu.dma_semaphore, #tpu.memory_space<semaphore_mem>>) {add = true}
    %dma_start3A_318 = arith.constant 12 : i32
    %dma_start3A_319 = arith.constant 0 : i32
    %dma_start3A_320 = tpu.memref_slice %arg5[%dma_start3A_318, %dma_start3A_319] : memref<200x128xi32, #tpu.memory_space<vmem>> -> memref<1x128xi32, #tpu.memory_space<vmem>>
    %dma_start3A_321 = tpu.memref_squeeze %dma_start3A_320 : memref<1x128xi32, #tpu.memory_space<vmem>> -> memref<128xi32, #tpu.memory_space<vmem>>
    %dma_start3A_322 = arith.constant 0 : i32
    %dma_start3A_323 = tpu.memref_slice %arg8[%dma_start3A_322] : memref<1048576xf32, #tpu.memory_space<vmem_shared>> -> memref<1048576xf32, #tpu.memory_space<vmem_shared>>
    tpu.enqueue_indirect_dma source(%arg6 : memref<128xf32, #tpu.memory_space<vmem>>) target(%dma_start3A_323 : memref<1048576xf32, #tpu.memory_space<vmem_shared>>) offsets(%dma_start3A_321 : memref<128xi32, #tpu.memory_space<vmem>>) semaphore(%arg9 : memref<!tpu.dma_semaphore, #tpu.memory_space<semaphore_mem>>) {add = true}
    %dma_start3A_324 = arith.constant 13 : i32
    %dma_start3A_325 = arith.constant 0 : i32
    %dma_start3A_326 = tpu.memref_slice %arg5[%dma_start3A_324, %dma_start3A_325] : memref<200x128xi32, #tpu.memory_space<vmem>> -> memref<1x128xi32, #tpu.memory_space<vmem>>
    %dma_start3A_327 = tpu.memref_squeeze %dma_start3A_326 : memref<1x128xi32, #tpu.memory_space<vmem>> -> memref<128xi32, #tpu.memory_space<vmem>>
    %dma_start3A_328 = arith.constant 0 : i32
    %dma_start3A_329 = tpu.memref_slice %arg8[%dma_start3A_328] : memref<1048576xf32, #tpu.memory_space<vmem_shared>> -> memref<1048576xf32, #tpu.memory_space<vmem_shared>>
    tpu.enqueue_indirect_dma source(%arg6 : memref<128xf32, #tpu.memory_space<vmem>>) target(%dma_start3A_329 : memref<1048576xf32, #tpu.memory_space<vmem_shared>>) offsets(%dma_start3A_327 : memref<128xi32, #tpu.memory_space<vmem>>) semaphore(%arg9 : memref<!tpu.dma_semaphore, #tpu.memory_space<semaphore_mem>>) {add = true}
    %dma_start3A_330 = arith.constant 14 : i32
    %dma_start3A_331 = arith.constant 0 : i32
    %dma_start3A_332 = tpu.memref_slice %arg5[%dma_start3A_330, %dma_start3A_331] : memref<200x128xi32, #tpu.memory_space<vmem>> -> memref<1x128xi32, #tpu.memory_space<vmem>>
    %dma_start3A_333 = tpu.memref_squeeze %dma_start3A_332 : memref<1x128xi32, #tpu.memory_space<vmem>> -> memref<128xi32, #tpu.memory_space<vmem>>
    %dma_start3A_334 = arith.constant 0 : i32
    %dma_start3A_335 = tpu.memref_slice %arg8[%dma_start3A_334] : memref<1048576xf32, #tpu.memory_space<vmem_shared>> -> memref<1048576xf32, #tpu.memory_space<vmem_shared>>
    tpu.enqueue_indirect_dma source(%arg6 : memref<128xf32, #tpu.memory_space<vmem>>) target(%dma_start3A_335 : memref<1048576xf32, #tpu.memory_space<vmem_shared>>) offsets(%dma_start3A_333 : memref<128xi32, #tpu.memory_space<vmem>>) semaphore(%arg9 : memref<!tpu.dma_semaphore, #tpu.memory_space<semaphore_mem>>) {add = true}
    %dma_start3A_336 = arith.constant 15 : i32
    %dma_start3A_337 = arith.constant 0 : i32
    %dma_start3A_338 = tpu.memref_slice %arg5[%dma_start3A_336, %dma_start3A_337] : memref<200x128xi32, #tpu.memory_space<vmem>> -> memref<1x128xi32, #tpu.memory_space<vmem>>
    %dma_start3A_339 = tpu.memref_squeeze %dma_start3A_338 : memref<1x128xi32, #tpu.memory_space<vmem>> -> memref<128xi32, #tpu.memory_space<vmem>>
    %dma_start3A_340 = arith.constant 0 : i32
    %dma_start3A_341 = tpu.memref_slice %arg8[%dma_start3A_340] : memref<1048576xf32, #tpu.memory_space<vmem_shared>> -> memref<1048576xf32, #tpu.memory_space<vmem_shared>>
    tpu.enqueue_indirect_dma source(%arg6 : memref<128xf32, #tpu.memory_space<vmem>>) target(%dma_start3A_341 : memref<1048576xf32, #tpu.memory_space<vmem_shared>>) offsets(%dma_start3A_339 : memref<128xi32, #tpu.memory_space<vmem>>) semaphore(%arg9 : memref<!tpu.dma_semaphore, #tpu.memory_space<semaphore_mem>>) {add = true}
    %scan3A_342 = arith.constant 0 : i32
    %scan3A_343 = arith.constant 0 : i32
    %scan3A_344 = arith.constant 23 : i32
    %scan3A_345 = arith.addi %scan3A_343, %scan3A_344 : i32
    %scan3A_346 = arith.constant 1 : i32
    %scan3A_347 = scf.for %scan3A_653 = %scan3A_343 to %scan3A_345 step %scan3A_346 iter_args(%scan3A_654 = %scan3A_342) -> (i32)  : i32 {
      %add3A_655 = arith.constant 2 : i32
      %add3A_656 = arith.addi %scan3A_653, %add3A_655 : i32
      %mul3A_657 = arith.constant 8 : i32
      %mul3A_658 = arith.muli %add3A_656, %mul3A_657 : i32
      %add3A_659 = arith.constant 0 : i32
      %add3A_660 = arith.addi %mul3A_658, %add3A_659 : i32
      %dma_start3A_661 = arith.constant 0 : i32
      %dma_start3A_662 = tpu.memref_slice %arg5[%add3A_660, %dma_start3A_661] : memref<200x128xi32, #tpu.memory_space<vmem>> -> memref<1x128xi32, #tpu.memory_space<vmem>>
      %dma_start3A_663 = tpu.memref_squeeze %dma_start3A_662 : memref<1x128xi32, #tpu.memory_space<vmem>> -> memref<128xi32, #tpu.memory_space<vmem>>
      %dma_start3A_664 = arith.constant 0 : i32
      %dma_start3A_665 = tpu.memref_slice %arg8[%dma_start3A_664] : memref<1048576xf32, #tpu.memory_space<vmem_shared>> -> memref<1048576xf32, #tpu.memory_space<vmem_shared>>
      tpu.enqueue_indirect_dma source(%arg6 : memref<128xf32, #tpu.memory_space<vmem>>) target(%dma_start3A_665 : memref<1048576xf32, #tpu.memory_space<vmem_shared>>) offsets(%dma_start3A_663 : memref<128xi32, #tpu.memory_space<vmem>>) semaphore(%arg9 : memref<!tpu.dma_semaphore, #tpu.memory_space<semaphore_mem>>) {add = true}
      %mul3A_666 = arith.constant 8 : i32
      %mul3A_667 = arith.muli %add3A_656, %mul3A_666 : i32
      %add3A_668 = arith.constant 1 : i32
      %add3A_669 = arith.addi %mul3A_667, %add3A_668 : i32
      %dma_start3A_670 = arith.constant 0 : i32
      %dma_start3A_671 = tpu.memref_slice %arg5[%add3A_669, %dma_start3A_670] : memref<200x128xi32, #tpu.memory_space<vmem>> -> memref<1x128xi32, #tpu.memory_space<vmem>>
      %dma_start3A_672 = tpu.memref_squeeze %dma_start3A_671 : memref<1x128xi32, #tpu.memory_space<vmem>> -> memref<128xi32, #tpu.memory_space<vmem>>
      %dma_start3A_673 = arith.constant 0 : i32
      %dma_start3A_674 = tpu.memref_slice %arg8[%dma_start3A_673] : memref<1048576xf32, #tpu.memory_space<vmem_shared>> -> memref<1048576xf32, #tpu.memory_space<vmem_shared>>
      tpu.enqueue_indirect_dma source(%arg6 : memref<128xf32, #tpu.memory_space<vmem>>) target(%dma_start3A_674 : memref<1048576xf32, #tpu.memory_space<vmem_shared>>) offsets(%dma_start3A_672 : memref<128xi32, #tpu.memory_space<vmem>>) semaphore(%arg9 : memref<!tpu.dma_semaphore, #tpu.memory_space<semaphore_mem>>) {add = true}
      %mul3A_675 = arith.constant 8 : i32
      %mul3A_676 = arith.muli %add3A_656, %mul3A_675 : i32
      %add3A_677 = arith.constant 2 : i32
      %add3A_678 = arith.addi %mul3A_676, %add3A_677 : i32
      %dma_start3A_679 = arith.constant 0 : i32
      %dma_start3A_680 = tpu.memref_slice %arg5[%add3A_678, %dma_start3A_679] : memref<200x128xi32, #tpu.memory_space<vmem>> -> memref<1x128xi32, #tpu.memory_space<vmem>>
      %dma_start3A_681 = tpu.memref_squeeze %dma_start3A_680 : memref<1x128xi32, #tpu.memory_space<vmem>> -> memref<128xi32, #tpu.memory_space<vmem>>
      %dma_start3A_682 = arith.constant 0 : i32
      %dma_start3A_683 = tpu.memref_slice %arg8[%dma_start3A_682] : memref<1048576xf32, #tpu.memory_space<vmem_shared>> -> memref<1048576xf32, #tpu.memory_space<vmem_shared>>
      tpu.enqueue_indirect_dma source(%arg6 : memref<128xf32, #tpu.memory_space<vmem>>) target(%dma_start3A_683 : memref<1048576xf32, #tpu.memory_space<vmem_shared>>) offsets(%dma_start3A_681 : memref<128xi32, #tpu.memory_space<vmem>>) semaphore(%arg9 : memref<!tpu.dma_semaphore, #tpu.memory_space<semaphore_mem>>) {add = true}
      %mul3A_684 = arith.constant 8 : i32
      %mul3A_685 = arith.muli %add3A_656, %mul3A_684 : i32
      %add3A_686 = arith.constant 3 : i32
      %add3A_687 = arith.addi %mul3A_685, %add3A_686 : i32
      %dma_start3A_688 = arith.constant 0 : i32
      %dma_start3A_689 = tpu.memref_slice %arg5[%add3A_687, %dma_start3A_688] : memref<200x128xi32, #tpu.memory_space<vmem>> -> memref<1x128xi32, #tpu.memory_space<vmem>>
      %dma_start3A_690 = tpu.memref_squeeze %dma_start3A_689 : memref<1x128xi32, #tpu.memory_space<vmem>> -> memref<128xi32, #tpu.memory_space<vmem>>
      %dma_start3A_691 = arith.constant 0 : i32
      %dma_start3A_692 = tpu.memref_slice %arg8[%dma_start3A_691] : memref<1048576xf32, #tpu.memory_space<vmem_shared>> -> memref<1048576xf32, #tpu.memory_space<vmem_shared>>
      tpu.enqueue_indirect_dma source(%arg6 : memref<128xf32, #tpu.memory_space<vmem>>) target(%dma_start3A_692 : memref<1048576xf32, #tpu.memory_space<vmem_shared>>) offsets(%dma_start3A_690 : memref<128xi32, #tpu.memory_space<vmem>>) semaphore(%arg9 : memref<!tpu.dma_semaphore, #tpu.memory_space<semaphore_mem>>) {add = true}
      %mul3A_693 = arith.constant 8 : i32
      %mul3A_694 = arith.muli %add3A_656, %mul3A_693 : i32
      %add3A_695 = arith.constant 4 : i32
      %add3A_696 = arith.addi %mul3A_694, %add3A_695 : i32
      %dma_start3A_697 = arith.constant 0 : i32
      %dma_start3A_698 = tpu.memref_slice %arg5[%add3A_696, %dma_start3A_697] : memref<200x128xi32, #tpu.memory_space<vmem>> -> memref<1x128xi32, #tpu.memory_space<vmem>>
      %dma_start3A_699 = tpu.memref_squeeze %dma_start3A_698 : memref<1x128xi32, #tpu.memory_space<vmem>> -> memref<128xi32, #tpu.memory_space<vmem>>
      %dma_start3A_700 = arith.constant 0 : i32
      %dma_start3A_701 = tpu.memref_slice %arg8[%dma_start3A_700] : memref<1048576xf32, #tpu.memory_space<vmem_shared>> -> memref<1048576xf32, #tpu.memory_space<vmem_shared>>
      tpu.enqueue_indirect_dma source(%arg6 : memref<128xf32, #tpu.memory_space<vmem>>) target(%dma_start3A_701 : memref<1048576xf32, #tpu.memory_space<vmem_shared>>) offsets(%dma_start3A_699 : memref<128xi32, #tpu.memory_space<vmem>>) semaphore(%arg9 : memref<!tpu.dma_semaphore, #tpu.memory_space<semaphore_mem>>) {add = true}
      %mul3A_702 = arith.constant 8 : i32
      %mul3A_703 = arith.muli %add3A_656, %mul3A_702 : i32
      %add3A_704 = arith.constant 5 : i32
      %add3A_705 = arith.addi %mul3A_703, %add3A_704 : i32
      %dma_start3A_706 = arith.constant 0 : i32
      %dma_start3A_707 = tpu.memref_slice %arg5[%add3A_705, %dma_start3A_706] : memref<200x128xi32, #tpu.memory_space<vmem>> -> memref<1x128xi32, #tpu.memory_space<vmem>>
      %dma_start3A_708 = tpu.memref_squeeze %dma_start3A_707 : memref<1x128xi32, #tpu.memory_space<vmem>> -> memref<128xi32, #tpu.memory_space<vmem>>
      %dma_start3A_709 = arith.constant 0 : i32
      %dma_start3A_710 = tpu.memref_slice %arg8[%dma_start3A_709] : memref<1048576xf32, #tpu.memory_space<vmem_shared>> -> memref<1048576xf32, #tpu.memory_space<vmem_shared>>
      tpu.enqueue_indirect_dma source(%arg6 : memref<128xf32, #tpu.memory_space<vmem>>) target(%dma_start3A_710 : memref<1048576xf32, #tpu.memory_space<vmem_shared>>) offsets(%dma_start3A_708 : memref<128xi32, #tpu.memory_space<vmem>>) semaphore(%arg9 : memref<!tpu.dma_semaphore, #tpu.memory_space<semaphore_mem>>) {add = true}
      %mul3A_711 = arith.constant 8 : i32
      %mul3A_712 = arith.muli %add3A_656, %mul3A_711 : i32
      %add3A_713 = arith.constant 6 : i32
      %add3A_714 = arith.addi %mul3A_712, %add3A_713 : i32
      %dma_start3A_715 = arith.constant 0 : i32
      %dma_start3A_716 = tpu.memref_slice %arg5[%add3A_714, %dma_start3A_715] : memref<200x128xi32, #tpu.memory_space<vmem>> -> memref<1x128xi32, #tpu.memory_space<vmem>>
      %dma_start3A_717 = tpu.memref_squeeze %dma_start3A_716 : memref<1x128xi32, #tpu.memory_space<vmem>> -> memref<128xi32, #tpu.memory_space<vmem>>
      %dma_start3A_718 = arith.constant 0 : i32
      %dma_start3A_719 = tpu.memref_slice %arg8[%dma_start3A_718] : memref<1048576xf32, #tpu.memory_space<vmem_shared>> -> memref<1048576xf32, #tpu.memory_space<vmem_shared>>
      tpu.enqueue_indirect_dma source(%arg6 : memref<128xf32, #tpu.memory_space<vmem>>) target(%dma_start3A_719 : memref<1048576xf32, #tpu.memory_space<vmem_shared>>) offsets(%dma_start3A_717 : memref<128xi32, #tpu.memory_space<vmem>>) semaphore(%arg9 : memref<!tpu.dma_semaphore, #tpu.memory_space<semaphore_mem>>) {add = true}
      %mul3A_720 = arith.constant 8 : i32
      %mul3A_721 = arith.muli %add3A_656, %mul3A_720 : i32
      %add3A_722 = arith.constant 7 : i32
      %add3A_723 = arith.addi %mul3A_721, %add3A_722 : i32
      %dma_start3A_724 = arith.constant 0 : i32
      %dma_start3A_725 = tpu.memref_slice %arg5[%add3A_723, %dma_start3A_724] : memref<200x128xi32, #tpu.memory_space<vmem>> -> memref<1x128xi32, #tpu.memory_space<vmem>>
      %dma_start3A_726 = tpu.memref_squeeze %dma_start3A_725 : memref<1x128xi32, #tpu.memory_space<vmem>> -> memref<128xi32, #tpu.memory_space<vmem>>
      %dma_start3A_727 = arith.constant 0 : i32
      %dma_start3A_728 = tpu.memref_slice %arg8[%dma_start3A_727] : memref<1048576xf32, #tpu.memory_space<vmem_shared>> -> memref<1048576xf32, #tpu.memory_space<vmem_shared>>
      tpu.enqueue_indirect_dma source(%arg6 : memref<128xf32, #tpu.memory_space<vmem>>) target(%dma_start3A_728 : memref<1048576xf32, #tpu.memory_space<vmem_shared>>) offsets(%dma_start3A_726 : memref<128xi32, #tpu.memory_space<vmem>>) semaphore(%arg9 : memref<!tpu.dma_semaphore, #tpu.memory_space<semaphore_mem>>) {add = true}
      %dma_wait3A_729 = arith.constant 0 : i32
      %dma_wait3A_730 = arith.constant 0 : i32
      %dma_wait3A_731 = tpu.memref_slice %arg7[%dma_wait3A_730] : memref<8192xf32, #tpu.memory_space<vmem>> -> memref<1024xf32, #tpu.memory_space<vmem>>
      %dma_wait3A_732 = arith.constant 0 : i32
      %dma_wait3A_733 = tpu.memref_slice %arg3[%dma_wait3A_729, %dma_wait3A_732] : memref<2x1048576xf32, #tpu.memory_space<hbm>> -> memref<1x1024xf32, #tpu.memory_space<hbm>>
      %dma_wait3A_734 = tpu.memref_squeeze %dma_wait3A_733 : memref<1x1024xf32, #tpu.memory_space<hbm>> -> memref<1024xf32, #tpu.memory_space<hbm>>
      %dma_wait3A_735 = arith.constant 0 : i32
      %dma_wait3A_736 = tpu.memref_slice %arg7[%dma_wait3A_735] : memref<8192xf32, #tpu.memory_space<vmem>> -> memref<1024xf32, #tpu.memory_space<vmem>>
      %dma_wait3A_737 = arith.constant 0 : i32
      %dma_wait3A_738 = tpu.memref_slice %arg3[%dma_wait3A_729, %dma_wait3A_737] : memref<2x1048576xf32, #tpu.memory_space<hbm>> -> memref<1x1024xf32, #tpu.memory_space<hbm>>
      %dma_wait3A_739 = tpu.memref_squeeze %dma_wait3A_738 : memref<1x1024xf32, #tpu.memory_space<hbm>> -> memref<1024xf32, #tpu.memory_space<hbm>>
      tpu.wait_dma2 semaphore(%arg9 : memref<!tpu.dma_semaphore, #tpu.memory_space<semaphore_mem>>) src(%dma_wait3A_739 : memref<1024xf32, #tpu.memory_space<hbm>>) dst(%dma_wait3A_736 : memref<1024xf32, #tpu.memory_space<vmem>>)
      %scan3A_740 = arith.constant 0 : i32
      scf.yield %scan3A_740 : i32
    }
    %scan3A_348 = arith.constant 23 : i32
    %dma_wait3A_349 = arith.constant 0 : i32
    %dma_wait3A_350 = arith.constant 0 : i32
    %dma_wait3A_351 = tpu.memref_slice %arg7[%dma_wait3A_350] : memref<8192xf32, #tpu.memory_space<vmem>> -> memref<1024xf32, #tpu.memory_space<vmem>>
    %dma_wait3A_352 = arith.constant 0 : i32
    %dma_wait3A_353 = tpu.memref_slice %arg3[%dma_wait3A_349, %dma_wait3A_352] : memref<2x1048576xf32, #tpu.memory_space<hbm>> -> memref<1x1024xf32, #tpu.memory_space<hbm>>
    %dma_wait3A_354 = tpu.memref_squeeze %dma_wait3A_353 : memref<1x1024xf32, #tpu.memory_space<hbm>> -> memref<1024xf32, #tpu.memory_space<hbm>>
    %dma_wait3A_355 = arith.constant 0 : i32
    %dma_wait3A_356 = tpu.memref_slice %arg7[%dma_wait3A_355] : memref<8192xf32, #tpu.memory_space<vmem>> -> memref<1024xf32, #tpu.memory_space<vmem>>
    %dma_wait3A_357 = arith.constant 0 : i32
    %dma_wait3A_358 = tpu.memref_slice %arg3[%dma_wait3A_349, %dma_wait3A_357] : memref<2x1048576xf32, #tpu.memory_space<hbm>> -> memref<1x1024xf32, #tpu.memory_space<hbm>>
    %dma_wait3A_359 = tpu.memref_squeeze %dma_wait3A_358 : memref<1x1024xf32, #tpu.memory_space<hbm>> -> memref<1024xf32, #tpu.memory_space<hbm>>
    tpu.wait_dma2 semaphore(%arg9 : memref<!tpu.dma_semaphore, #tpu.memory_space<semaphore_mem>>) src(%dma_wait3A_359 : memref<1024xf32, #tpu.memory_space<hbm>>) dst(%dma_wait3A_356 : memref<1024xf32, #tpu.memory_space<vmem>>)
    %dma_wait3A_360 = arith.constant 0 : i32
    %dma_wait3A_361 = arith.constant 0 : i32
    %dma_wait3A_362 = tpu.memref_slice %arg7[%dma_wait3A_361] : memref<8192xf32, #tpu.memory_space<vmem>> -> memref<1024xf32, #tpu.memory_space<vmem>>
    %dma_wait3A_363 = arith.constant 0 : i32
    %dma_wait3A_364 = tpu.memref_slice %arg3[%dma_wait3A_360, %dma_wait3A_363] : memref<2x1048576xf32, #tpu.memory_space<hbm>> -> memref<1x1024xf32, #tpu.memory_space<hbm>>
    %dma_wait3A_365 = tpu.memref_squeeze %dma_wait3A_364 : memref<1x1024xf32, #tpu.memory_space<hbm>> -> memref<1024xf32, #tpu.memory_space<hbm>>
    %dma_wait3A_366 = arith.constant 0 : i32
    %dma_wait3A_367 = tpu.memref_slice %arg7[%dma_wait3A_366] : memref<8192xf32, #tpu.memory_space<vmem>> -> memref<1024xf32, #tpu.memory_space<vmem>>
    %dma_wait3A_368 = arith.constant 0 : i32
    %dma_wait3A_369 = tpu.memref_slice %arg3[%dma_wait3A_360, %dma_wait3A_368] : memref<2x1048576xf32, #tpu.memory_space<hbm>> -> memref<1x1024xf32, #tpu.memory_space<hbm>>
    %dma_wait3A_370 = tpu.memref_squeeze %dma_wait3A_369 : memref<1x1024xf32, #tpu.memory_space<hbm>> -> memref<1024xf32, #tpu.memory_space<hbm>>
    tpu.wait_dma2 semaphore(%arg9 : memref<!tpu.dma_semaphore, #tpu.memory_space<semaphore_mem>>) src(%dma_wait3A_370 : memref<1024xf32, #tpu.memory_space<hbm>>) dst(%dma_wait3A_367 : memref<1024xf32, #tpu.memory_space<vmem>>)
    %dma_wait3A_371 = arith.constant 2 : i32
    %dma_wait3A_372 = arith.constant 0 : i32
    %dma_wait3A_373 = arith.constant 0 : i32
    %dma_wait3A_374 = tpu.memref_slice %arg2[%add3A, %dma_wait3A_371, %dma_wait3A_372, %dma_wait3A_373] : memref<32x4x200x128xi32, #tpu.memory_space<hbm>> -> memref<1x1x200x128xi32, #tpu.memory_space<hbm>>
    %dma_wait3A_375 = tpu.memref_squeeze %dma_wait3A_374 : memref<1x1x200x128xi32, #tpu.memory_space<hbm>> -> memref<200x128xi32, #tpu.memory_space<hbm>>
    %dma_wait3A_376 = arith.constant 0 : i32
    %dma_wait3A_377 = arith.constant 0 : i32
    %dma_wait3A_378 = tpu.memref_slice %arg2[%add3A, %dma_wait3A_371, %dma_wait3A_376, %dma_wait3A_377] : memref<32x4x200x128xi32, #tpu.memory_space<hbm>> -> memref<1x1x200x128xi32, #tpu.memory_space<hbm>>
    %dma_wait3A_379 = tpu.memref_squeeze %dma_wait3A_378 : memref<1x1x200x128xi32, #tpu.memory_space<hbm>> -> memref<200x128xi32, #tpu.memory_space<hbm>>
    tpu.wait_dma2 semaphore(%arg11 : memref<!tpu.dma_semaphore, #tpu.memory_space<semaphore_mem>>) src(%dma_wait3A_379 : memref<200x128xi32, #tpu.memory_space<hbm>>) dst(%arg4 : memref<200x128xi32, #tpu.memory_space<vmem>>)
    %dma_start3A_380 = arith.constant 3 : i32
    %dma_start3A_381 = arith.constant 0 : i32
    %dma_start3A_382 = arith.constant 0 : i32
    %dma_start3A_383 = tpu.memref_slice %arg2[%add3A, %dma_start3A_380, %dma_start3A_381, %dma_start3A_382] : memref<32x4x200x128xi32, #tpu.memory_space<hbm>> -> memref<1x1x200x128xi32, #tpu.memory_space<hbm>>
    %dma_start3A_384 = tpu.memref_squeeze %dma_start3A_383 : memref<1x1x200x128xi32, #tpu.memory_space<hbm>> -> memref<200x128xi32, #tpu.memory_space<hbm>>
    %dma_start3A_385 = arith.constant 0 : i32
    %dma_start3A_386 = arith.constant 0 : i32
    %dma_start3A_387 = tpu.memref_slice %arg2[%add3A, %dma_start3A_380, %dma_start3A_385, %dma_start3A_386] : memref<32x4x200x128xi32, #tpu.memory_space<hbm>> -> memref<1x1x200x128xi32, #tpu.memory_space<hbm>>
    %dma_start3A_388 = tpu.memref_squeeze %dma_start3A_387 : memref<1x1x200x128xi32, #tpu.memory_space<hbm>> -> memref<200x128xi32, #tpu.memory_space<hbm>>
    tpu.enqueue_dma source(%dma_start3A_388 : memref<200x128xi32, #tpu.memory_space<hbm>>) target(%arg5 : memref<200x128xi32, #tpu.memory_space<vmem>>) target_semaphore(%arg11 : memref<!tpu.dma_semaphore, #tpu.memory_space<semaphore_mem>>)
    %dma_start3A_389 = arith.constant 0 : i32
    %dma_start3A_390 = arith.constant 0 : i32
    %dma_start3A_391 = tpu.memref_slice %arg4[%dma_start3A_389, %dma_start3A_390] : memref<200x128xi32, #tpu.memory_space<vmem>> -> memref<1x128xi32, #tpu.memory_space<vmem>>
    %dma_start3A_392 = tpu.memref_squeeze %dma_start3A_391 : memref<1x128xi32, #tpu.memory_space<vmem>> -> memref<128xi32, #tpu.memory_space<vmem>>
    %dma_start3A_393 = arith.constant 0 : i32
    %dma_start3A_394 = tpu.memref_slice %arg8[%dma_start3A_393] : memref<1048576xf32, #tpu.memory_space<vmem_shared>> -> memref<1048576xf32, #tpu.memory_space<vmem_shared>>
    tpu.enqueue_indirect_dma source(%arg6 : memref<128xf32, #tpu.memory_space<vmem>>) target(%dma_start3A_394 : memref<1048576xf32, #tpu.memory_space<vmem_shared>>) offsets(%dma_start3A_392 : memref<128xi32, #tpu.memory_space<vmem>>) semaphore(%arg9 : memref<!tpu.dma_semaphore, #tpu.memory_space<semaphore_mem>>) {add = true}
    %dma_start3A_395 = arith.constant 1 : i32
    %dma_start3A_396 = arith.constant 0 : i32
    %dma_start3A_397 = tpu.memref_slice %arg4[%dma_start3A_395, %dma_start3A_396] : memref<200x128xi32, #tpu.memory_space<vmem>> -> memref<1x128xi32, #tpu.memory_space<vmem>>
    %dma_start3A_398 = tpu.memref_squeeze %dma_start3A_397 : memref<1x128xi32, #tpu.memory_space<vmem>> -> memref<128xi32, #tpu.memory_space<vmem>>
    %dma_start3A_399 = arith.constant 0 : i32
    %dma_start3A_400 = tpu.memref_slice %arg8[%dma_start3A_399] : memref<1048576xf32, #tpu.memory_space<vmem_shared>> -> memref<1048576xf32, #tpu.memory_space<vmem_shared>>
    tpu.enqueue_indirect_dma source(%arg6 : memref<128xf32, #tpu.memory_space<vmem>>) target(%dma_start3A_400 : memref<1048576xf32, #tpu.memory_space<vmem_shared>>) offsets(%dma_start3A_398 : memref<128xi32, #tpu.memory_space<vmem>>) semaphore(%arg9 : memref<!tpu.dma_semaphore, #tpu.memory_space<semaphore_mem>>) {add = true}
    %dma_start3A_401 = arith.constant 2 : i32
    %dma_start3A_402 = arith.constant 0 : i32
    %dma_start3A_403 = tpu.memref_slice %arg4[%dma_start3A_401, %dma_start3A_402] : memref<200x128xi32, #tpu.memory_space<vmem>> -> memref<1x128xi32, #tpu.memory_space<vmem>>
    %dma_start3A_404 = tpu.memref_squeeze %dma_start3A_403 : memref<1x128xi32, #tpu.memory_space<vmem>> -> memref<128xi32, #tpu.memory_space<vmem>>
    %dma_start3A_405 = arith.constant 0 : i32
    %dma_start3A_406 = tpu.memref_slice %arg8[%dma_start3A_405] : memref<1048576xf32, #tpu.memory_space<vmem_shared>> -> memref<1048576xf32, #tpu.memory_space<vmem_shared>>
    tpu.enqueue_indirect_dma source(%arg6 : memref<128xf32, #tpu.memory_space<vmem>>) target(%dma_start3A_406 : memref<1048576xf32, #tpu.memory_space<vmem_shared>>) offsets(%dma_start3A_404 : memref<128xi32, #tpu.memory_space<vmem>>) semaphore(%arg9 : memref<!tpu.dma_semaphore, #tpu.memory_space<semaphore_mem>>) {add = true}
    %dma_start3A_407 = arith.constant 3 : i32
    %dma_start3A_408 = arith.constant 0 : i32
    %dma_start3A_409 = tpu.memref_slice %arg4[%dma_start3A_407, %dma_start3A_408] : memref<200x128xi32, #tpu.memory_space<vmem>> -> memref<1x128xi32, #tpu.memory_space<vmem>>
    %dma_start3A_410 = tpu.memref_squeeze %dma_start3A_409 : memref<1x128xi32, #tpu.memory_space<vmem>> -> memref<128xi32, #tpu.memory_space<vmem>>
    %dma_start3A_411 = arith.constant 0 : i32
    %dma_start3A_412 = tpu.memref_slice %arg8[%dma_start3A_411] : memref<1048576xf32, #tpu.memory_space<vmem_shared>> -> memref<1048576xf32, #tpu.memory_space<vmem_shared>>
    tpu.enqueue_indirect_dma source(%arg6 : memref<128xf32, #tpu.memory_space<vmem>>) target(%dma_start3A_412 : memref<1048576xf32, #tpu.memory_space<vmem_shared>>) offsets(%dma_start3A_410 : memref<128xi32, #tpu.memory_space<vmem>>) semaphore(%arg9 : memref<!tpu.dma_semaphore, #tpu.memory_space<semaphore_mem>>) {add = true}
    %dma_start3A_413 = arith.constant 4 : i32
    %dma_start3A_414 = arith.constant 0 : i32
    %dma_start3A_415 = tpu.memref_slice %arg4[%dma_start3A_413, %dma_start3A_414] : memref<200x128xi32, #tpu.memory_space<vmem>> -> memref<1x128xi32, #tpu.memory_space<vmem>>
    %dma_start3A_416 = tpu.memref_squeeze %dma_start3A_415 : memref<1x128xi32, #tpu.memory_space<vmem>> -> memref<128xi32, #tpu.memory_space<vmem>>
    %dma_start3A_417 = arith.constant 0 : i32
    %dma_start3A_418 = tpu.memref_slice %arg8[%dma_start3A_417] : memref<1048576xf32, #tpu.memory_space<vmem_shared>> -> memref<1048576xf32, #tpu.memory_space<vmem_shared>>
    tpu.enqueue_indirect_dma source(%arg6 : memref<128xf32, #tpu.memory_space<vmem>>) target(%dma_start3A_418 : memref<1048576xf32, #tpu.memory_space<vmem_shared>>) offsets(%dma_start3A_416 : memref<128xi32, #tpu.memory_space<vmem>>) semaphore(%arg9 : memref<!tpu.dma_semaphore, #tpu.memory_space<semaphore_mem>>) {add = true}
    %dma_start3A_419 = arith.constant 5 : i32
    %dma_start3A_420 = arith.constant 0 : i32
    %dma_start3A_421 = tpu.memref_slice %arg4[%dma_start3A_419, %dma_start3A_420] : memref<200x128xi32, #tpu.memory_space<vmem>> -> memref<1x128xi32, #tpu.memory_space<vmem>>
    %dma_start3A_422 = tpu.memref_squeeze %dma_start3A_421 : memref<1x128xi32, #tpu.memory_space<vmem>> -> memref<128xi32, #tpu.memory_space<vmem>>
    %dma_start3A_423 = arith.constant 0 : i32
    %dma_start3A_424 = tpu.memref_slice %arg8[%dma_start3A_423] : memref<1048576xf32, #tpu.memory_space<vmem_shared>> -> memref<1048576xf32, #tpu.memory_space<vmem_shared>>
    tpu.enqueue_indirect_dma source(%arg6 : memref<128xf32, #tpu.memory_space<vmem>>) target(%dma_start3A_424 : memref<1048576xf32, #tpu.memory_space<vmem_shared>>) offsets(%dma_start3A_422 : memref<128xi32, #tpu.memory_space<vmem>>) semaphore(%arg9 : memref<!tpu.dma_semaphore, #tpu.memory_space<semaphore_mem>>) {add = true}
    %dma_start3A_425 = arith.constant 6 : i32
    %dma_start3A_426 = arith.constant 0 : i32
    %dma_start3A_427 = tpu.memref_slice %arg4[%dma_start3A_425, %dma_start3A_426] : memref<200x128xi32, #tpu.memory_space<vmem>> -> memref<1x128xi32, #tpu.memory_space<vmem>>
    %dma_start3A_428 = tpu.memref_squeeze %dma_start3A_427 : memref<1x128xi32, #tpu.memory_space<vmem>> -> memref<128xi32, #tpu.memory_space<vmem>>
    %dma_start3A_429 = arith.constant 0 : i32
    %dma_start3A_430 = tpu.memref_slice %arg8[%dma_start3A_429] : memref<1048576xf32, #tpu.memory_space<vmem_shared>> -> memref<1048576xf32, #tpu.memory_space<vmem_shared>>
    tpu.enqueue_indirect_dma source(%arg6 : memref<128xf32, #tpu.memory_space<vmem>>) target(%dma_start3A_430 : memref<1048576xf32, #tpu.memory_space<vmem_shared>>) offsets(%dma_start3A_428 : memref<128xi32, #tpu.memory_space<vmem>>) semaphore(%arg9 : memref<!tpu.dma_semaphore, #tpu.memory_space<semaphore_mem>>) {add = true}
    %dma_start3A_431 = arith.constant 7 : i32
    %dma_start3A_432 = arith.constant 0 : i32
    %dma_start3A_433 = tpu.memref_slice %arg4[%dma_start3A_431, %dma_start3A_432] : memref<200x128xi32, #tpu.memory_space<vmem>> -> memref<1x128xi32, #tpu.memory_space<vmem>>
    %dma_start3A_434 = tpu.memref_squeeze %dma_start3A_433 : memref<1x128xi32, #tpu.memory_space<vmem>> -> memref<128xi32, #tpu.memory_space<vmem>>
    %dma_start3A_435 = arith.constant 0 : i32
    %dma_start3A_436 = tpu.memref_slice %arg8[%dma_start3A_435] : memref<1048576xf32, #tpu.memory_space<vmem_shared>> -> memref<1048576xf32, #tpu.memory_space<vmem_shared>>
    tpu.enqueue_indirect_dma source(%arg6 : memref<128xf32, #tpu.memory_space<vmem>>) target(%dma_start3A_436 : memref<1048576xf32, #tpu.memory_space<vmem_shared>>) offsets(%dma_start3A_434 : memref<128xi32, #tpu.memory_space<vmem>>) semaphore(%arg9 : memref<!tpu.dma_semaphore, #tpu.memory_space<semaphore_mem>>) {add = true}
    %dma_start3A_437 = arith.constant 8 : i32
    %dma_start3A_438 = arith.constant 0 : i32
    %dma_start3A_439 = tpu.memref_slice %arg4[%dma_start3A_437, %dma_start3A_438] : memref<200x128xi32, #tpu.memory_space<vmem>> -> memref<1x128xi32, #tpu.memory_space<vmem>>
    %dma_start3A_440 = tpu.memref_squeeze %dma_start3A_439 : memref<1x128xi32, #tpu.memory_space<vmem>> -> memref<128xi32, #tpu.memory_space<vmem>>
    %dma_start3A_441 = arith.constant 0 : i32
    %dma_start3A_442 = tpu.memref_slice %arg8[%dma_start3A_441] : memref<1048576xf32, #tpu.memory_space<vmem_shared>> -> memref<1048576xf32, #tpu.memory_space<vmem_shared>>
    tpu.enqueue_indirect_dma source(%arg6 : memref<128xf32, #tpu.memory_space<vmem>>) target(%dma_start3A_442 : memref<1048576xf32, #tpu.memory_space<vmem_shared>>) offsets(%dma_start3A_440 : memref<128xi32, #tpu.memory_space<vmem>>) semaphore(%arg9 : memref<!tpu.dma_semaphore, #tpu.memory_space<semaphore_mem>>) {add = true}
    %dma_start3A_443 = arith.constant 9 : i32
    %dma_start3A_444 = arith.constant 0 : i32
    %dma_start3A_445 = tpu.memref_slice %arg4[%dma_start3A_443, %dma_start3A_444] : memref<200x128xi32, #tpu.memory_space<vmem>> -> memref<1x128xi32, #tpu.memory_space<vmem>>
    %dma_start3A_446 = tpu.memref_squeeze %dma_start3A_445 : memref<1x128xi32, #tpu.memory_space<vmem>> -> memref<128xi32, #tpu.memory_space<vmem>>
    %dma_start3A_447 = arith.constant 0 : i32
    %dma_start3A_448 = tpu.memref_slice %arg8[%dma_start3A_447] : memref<1048576xf32, #tpu.memory_space<vmem_shared>> -> memref<1048576xf32, #tpu.memory_space<vmem_shared>>
    tpu.enqueue_indirect_dma source(%arg6 : memref<128xf32, #tpu.memory_space<vmem>>) target(%dma_start3A_448 : memref<1048576xf32, #tpu.memory_space<vmem_shared>>) offsets(%dma_start3A_446 : memref<128xi32, #tpu.memory_space<vmem>>) semaphore(%arg9 : memref<!tpu.dma_semaphore, #tpu.memory_space<semaphore_mem>>) {add = true}
    %dma_start3A_449 = arith.constant 10 : i32
    %dma_start3A_450 = arith.constant 0 : i32
    %dma_start3A_451 = tpu.memref_slice %arg4[%dma_start3A_449, %dma_start3A_450] : memref<200x128xi32, #tpu.memory_space<vmem>> -> memref<1x128xi32, #tpu.memory_space<vmem>>
    %dma_start3A_452 = tpu.memref_squeeze %dma_start3A_451 : memref<1x128xi32, #tpu.memory_space<vmem>> -> memref<128xi32, #tpu.memory_space<vmem>>
    %dma_start3A_453 = arith.constant 0 : i32
    %dma_start3A_454 = tpu.memref_slice %arg8[%dma_start3A_453] : memref<1048576xf32, #tpu.memory_space<vmem_shared>> -> memref<1048576xf32, #tpu.memory_space<vmem_shared>>
    tpu.enqueue_indirect_dma source(%arg6 : memref<128xf32, #tpu.memory_space<vmem>>) target(%dma_start3A_454 : memref<1048576xf32, #tpu.memory_space<vmem_shared>>) offsets(%dma_start3A_452 : memref<128xi32, #tpu.memory_space<vmem>>) semaphore(%arg9 : memref<!tpu.dma_semaphore, #tpu.memory_space<semaphore_mem>>) {add = true}
    %dma_start3A_455 = arith.constant 11 : i32
    %dma_start3A_456 = arith.constant 0 : i32
    %dma_start3A_457 = tpu.memref_slice %arg4[%dma_start3A_455, %dma_start3A_456] : memref<200x128xi32, #tpu.memory_space<vmem>> -> memref<1x128xi32, #tpu.memory_space<vmem>>
    %dma_start3A_458 = tpu.memref_squeeze %dma_start3A_457 : memref<1x128xi32, #tpu.memory_space<vmem>> -> memref<128xi32, #tpu.memory_space<vmem>>
    %dma_start3A_459 = arith.constant 0 : i32
    %dma_start3A_460 = tpu.memref_slice %arg8[%dma_start3A_459] : memref<1048576xf32, #tpu.memory_space<vmem_shared>> -> memref<1048576xf32, #tpu.memory_space<vmem_shared>>
    tpu.enqueue_indirect_dma source(%arg6 : memref<128xf32, #tpu.memory_space<vmem>>) target(%dma_start3A_460 : memref<1048576xf32, #tpu.memory_space<vmem_shared>>) offsets(%dma_start3A_458 : memref<128xi32, #tpu.memory_space<vmem>>) semaphore(%arg9 : memref<!tpu.dma_semaphore, #tpu.memory_space<semaphore_mem>>) {add = true}
    %dma_start3A_461 = arith.constant 12 : i32
    %dma_start3A_462 = arith.constant 0 : i32
    %dma_start3A_463 = tpu.memref_slice %arg4[%dma_start3A_461, %dma_start3A_462] : memref<200x128xi32, #tpu.memory_space<vmem>> -> memref<1x128xi32, #tpu.memory_space<vmem>>
    %dma_start3A_464 = tpu.memref_squeeze %dma_start3A_463 : memref<1x128xi32, #tpu.memory_space<vmem>> -> memref<128xi32, #tpu.memory_space<vmem>>
    %dma_start3A_465 = arith.constant 0 : i32
    %dma_start3A_466 = tpu.memref_slice %arg8[%dma_start3A_465] : memref<1048576xf32, #tpu.memory_space<vmem_shared>> -> memref<1048576xf32, #tpu.memory_space<vmem_shared>>
    tpu.enqueue_indirect_dma source(%arg6 : memref<128xf32, #tpu.memory_space<vmem>>) target(%dma_start3A_466 : memref<1048576xf32, #tpu.memory_space<vmem_shared>>) offsets(%dma_start3A_464 : memref<128xi32, #tpu.memory_space<vmem>>) semaphore(%arg9 : memref<!tpu.dma_semaphore, #tpu.memory_space<semaphore_mem>>) {add = true}
    %dma_start3A_467 = arith.constant 13 : i32
    %dma_start3A_468 = arith.constant 0 : i32
    %dma_start3A_469 = tpu.memref_slice %arg4[%dma_start3A_467, %dma_start3A_468] : memref<200x128xi32, #tpu.memory_space<vmem>> -> memref<1x128xi32, #tpu.memory_space<vmem>>
    %dma_start3A_470 = tpu.memref_squeeze %dma_start3A_469 : memref<1x128xi32, #tpu.memory_space<vmem>> -> memref<128xi32, #tpu.memory_space<vmem>>
    %dma_start3A_471 = arith.constant 0 : i32
    %dma_start3A_472 = tpu.memref_slice %arg8[%dma_start3A_471] : memref<1048576xf32, #tpu.memory_space<vmem_shared>> -> memref<1048576xf32, #tpu.memory_space<vmem_shared>>
    tpu.enqueue_indirect_dma source(%arg6 : memref<128xf32, #tpu.memory_space<vmem>>) target(%dma_start3A_472 : memref<1048576xf32, #tpu.memory_space<vmem_shared>>) offsets(%dma_start3A_470 : memref<128xi32, #tpu.memory_space<vmem>>) semaphore(%arg9 : memref<!tpu.dma_semaphore, #tpu.memory_space<semaphore_mem>>) {add = true}
    %dma_start3A_473 = arith.constant 14 : i32
    %dma_start3A_474 = arith.constant 0 : i32
    %dma_start3A_475 = tpu.memref_slice %arg4[%dma_start3A_473, %dma_start3A_474] : memref<200x128xi32, #tpu.memory_space<vmem>> -> memref<1x128xi32, #tpu.memory_space<vmem>>
    %dma_start3A_476 = tpu.memref_squeeze %dma_start3A_475 : memref<1x128xi32, #tpu.memory_space<vmem>> -> memref<128xi32, #tpu.memory_space<vmem>>
    %dma_start3A_477 = arith.constant 0 : i32
    %dma_start3A_478 = tpu.memref_slice %arg8[%dma_start3A_477] : memref<1048576xf32, #tpu.memory_space<vmem_shared>> -> memref<1048576xf32, #tpu.memory_space<vmem_shared>>
    tpu.enqueue_indirect_dma source(%arg6 : memref<128xf32, #tpu.memory_space<vmem>>) target(%dma_start3A_478 : memref<1048576xf32, #tpu.memory_space<vmem_shared>>) offsets(%dma_start3A_476 : memref<128xi32, #tpu.memory_space<vmem>>) semaphore(%arg9 : memref<!tpu.dma_semaphore, #tpu.memory_space<semaphore_mem>>) {add = true}
    %dma_start3A_479 = arith.constant 15 : i32
    %dma_start3A_480 = arith.constant 0 : i32
    %dma_start3A_481 = tpu.memref_slice %arg4[%dma_start3A_479, %dma_start3A_480] : memref<200x128xi32, #tpu.memory_space<vmem>> -> memref<1x128xi32, #tpu.memory_space<vmem>>
    %dma_start3A_482 = tpu.memref_squeeze %dma_start3A_481 : memref<1x128xi32, #tpu.memory_space<vmem>> -> memref<128xi32, #tpu.memory_space<vmem>>
    %dma_start3A_483 = arith.constant 0 : i32
    %dma_start3A_484 = tpu.memref_slice %arg8[%dma_start3A_483] : memref<1048576xf32, #tpu.memory_space<vmem_shared>> -> memref<1048576xf32, #tpu.memory_space<vmem_shared>>
    tpu.enqueue_indirect_dma source(%arg6 : memref<128xf32, #tpu.memory_space<vmem>>) target(%dma_start3A_484 : memref<1048576xf32, #tpu.memory_space<vmem_shared>>) offsets(%dma_start3A_482 : memref<128xi32, #tpu.memory_space<vmem>>) semaphore(%arg9 : memref<!tpu.dma_semaphore, #tpu.memory_space<semaphore_mem>>) {add = true}
    %scan3A_485 = arith.constant 0 : i32
    %scan3A_486 = arith.constant 0 : i32
    %scan3A_487 = arith.constant 23 : i32
    %scan3A_488 = arith.addi %scan3A_486, %scan3A_487 : i32
    %scan3A_489 = arith.constant 1 : i32
    %scan3A_490 = scf.for %scan3A_653 = %scan3A_486 to %scan3A_488 step %scan3A_489 iter_args(%scan3A_654 = %scan3A_485) -> (i32)  : i32 {
      %add3A_655 = arith.constant 2 : i32
      %add3A_656 = arith.addi %scan3A_653, %add3A_655 : i32
      %mul3A_657 = arith.constant 8 : i32
      %mul3A_658 = arith.muli %add3A_656, %mul3A_657 : i32
      %add3A_659 = arith.constant 0 : i32
      %add3A_660 = arith.addi %mul3A_658, %add3A_659 : i32
      %dma_start3A_661 = arith.constant 0 : i32
      %dma_start3A_662 = tpu.memref_slice %arg4[%add3A_660, %dma_start3A_661] : memref<200x128xi32, #tpu.memory_space<vmem>> -> memref<1x128xi32, #tpu.memory_space<vmem>>
      %dma_start3A_663 = tpu.memref_squeeze %dma_start3A_662 : memref<1x128xi32, #tpu.memory_space<vmem>> -> memref<128xi32, #tpu.memory_space<vmem>>
      %dma_start3A_664 = arith.constant 0 : i32
      %dma_start3A_665 = tpu.memref_slice %arg8[%dma_start3A_664] : memref<1048576xf32, #tpu.memory_space<vmem_shared>> -> memref<1048576xf32, #tpu.memory_space<vmem_shared>>
      tpu.enqueue_indirect_dma source(%arg6 : memref<128xf32, #tpu.memory_space<vmem>>) target(%dma_start3A_665 : memref<1048576xf32, #tpu.memory_space<vmem_shared>>) offsets(%dma_start3A_663 : memref<128xi32, #tpu.memory_space<vmem>>) semaphore(%arg9 : memref<!tpu.dma_semaphore, #tpu.memory_space<semaphore_mem>>) {add = true}
      %mul3A_666 = arith.constant 8 : i32
      %mul3A_667 = arith.muli %add3A_656, %mul3A_666 : i32
      %add3A_668 = arith.constant 1 : i32
      %add3A_669 = arith.addi %mul3A_667, %add3A_668 : i32
      %dma_start3A_670 = arith.constant 0 : i32
      %dma_start3A_671 = tpu.memref_slice %arg4[%add3A_669, %dma_start3A_670] : memref<200x128xi32, #tpu.memory_space<vmem>> -> memref<1x128xi32, #tpu.memory_space<vmem>>
      %dma_start3A_672 = tpu.memref_squeeze %dma_start3A_671 : memref<1x128xi32, #tpu.memory_space<vmem>> -> memref<128xi32, #tpu.memory_space<vmem>>
      %dma_start3A_673 = arith.constant 0 : i32
      %dma_start3A_674 = tpu.memref_slice %arg8[%dma_start3A_673] : memref<1048576xf32, #tpu.memory_space<vmem_shared>> -> memref<1048576xf32, #tpu.memory_space<vmem_shared>>
      tpu.enqueue_indirect_dma source(%arg6 : memref<128xf32, #tpu.memory_space<vmem>>) target(%dma_start3A_674 : memref<1048576xf32, #tpu.memory_space<vmem_shared>>) offsets(%dma_start3A_672 : memref<128xi32, #tpu.memory_space<vmem>>) semaphore(%arg9 : memref<!tpu.dma_semaphore, #tpu.memory_space<semaphore_mem>>) {add = true}
      %mul3A_675 = arith.constant 8 : i32
      %mul3A_676 = arith.muli %add3A_656, %mul3A_675 : i32
      %add3A_677 = arith.constant 2 : i32
      %add3A_678 = arith.addi %mul3A_676, %add3A_677 : i32
      %dma_start3A_679 = arith.constant 0 : i32
      %dma_start3A_680 = tpu.memref_slice %arg4[%add3A_678, %dma_start3A_679] : memref<200x128xi32, #tpu.memory_space<vmem>> -> memref<1x128xi32, #tpu.memory_space<vmem>>
      %dma_start3A_681 = tpu.memref_squeeze %dma_start3A_680 : memref<1x128xi32, #tpu.memory_space<vmem>> -> memref<128xi32, #tpu.memory_space<vmem>>
      %dma_start3A_682 = arith.constant 0 : i32
      %dma_start3A_683 = tpu.memref_slice %arg8[%dma_start3A_682] : memref<1048576xf32, #tpu.memory_space<vmem_shared>> -> memref<1048576xf32, #tpu.memory_space<vmem_shared>>
      tpu.enqueue_indirect_dma source(%arg6 : memref<128xf32, #tpu.memory_space<vmem>>) target(%dma_start3A_683 : memref<1048576xf32, #tpu.memory_space<vmem_shared>>) offsets(%dma_start3A_681 : memref<128xi32, #tpu.memory_space<vmem>>) semaphore(%arg9 : memref<!tpu.dma_semaphore, #tpu.memory_space<semaphore_mem>>) {add = true}
      %mul3A_684 = arith.constant 8 : i32
      %mul3A_685 = arith.muli %add3A_656, %mul3A_684 : i32
      %add3A_686 = arith.constant 3 : i32
      %add3A_687 = arith.addi %mul3A_685, %add3A_686 : i32
      %dma_start3A_688 = arith.constant 0 : i32
      %dma_start3A_689 = tpu.memref_slice %arg4[%add3A_687, %dma_start3A_688] : memref<200x128xi32, #tpu.memory_space<vmem>> -> memref<1x128xi32, #tpu.memory_space<vmem>>
      %dma_start3A_690 = tpu.memref_squeeze %dma_start3A_689 : memref<1x128xi32, #tpu.memory_space<vmem>> -> memref<128xi32, #tpu.memory_space<vmem>>
      %dma_start3A_691 = arith.constant 0 : i32
      %dma_start3A_692 = tpu.memref_slice %arg8[%dma_start3A_691] : memref<1048576xf32, #tpu.memory_space<vmem_shared>> -> memref<1048576xf32, #tpu.memory_space<vmem_shared>>
      tpu.enqueue_indirect_dma source(%arg6 : memref<128xf32, #tpu.memory_space<vmem>>) target(%dma_start3A_692 : memref<1048576xf32, #tpu.memory_space<vmem_shared>>) offsets(%dma_start3A_690 : memref<128xi32, #tpu.memory_space<vmem>>) semaphore(%arg9 : memref<!tpu.dma_semaphore, #tpu.memory_space<semaphore_mem>>) {add = true}
      %mul3A_693 = arith.constant 8 : i32
      %mul3A_694 = arith.muli %add3A_656, %mul3A_693 : i32
      %add3A_695 = arith.constant 4 : i32
      %add3A_696 = arith.addi %mul3A_694, %add3A_695 : i32
      %dma_start3A_697 = arith.constant 0 : i32
      %dma_start3A_698 = tpu.memref_slice %arg4[%add3A_696, %dma_start3A_697] : memref<200x128xi32, #tpu.memory_space<vmem>> -> memref<1x128xi32, #tpu.memory_space<vmem>>
      %dma_start3A_699 = tpu.memref_squeeze %dma_start3A_698 : memref<1x128xi32, #tpu.memory_space<vmem>> -> memref<128xi32, #tpu.memory_space<vmem>>
      %dma_start3A_700 = arith.constant 0 : i32
      %dma_start3A_701 = tpu.memref_slice %arg8[%dma_start3A_700] : memref<1048576xf32, #tpu.memory_space<vmem_shared>> -> memref<1048576xf32, #tpu.memory_space<vmem_shared>>
      tpu.enqueue_indirect_dma source(%arg6 : memref<128xf32, #tpu.memory_space<vmem>>) target(%dma_start3A_701 : memref<1048576xf32, #tpu.memory_space<vmem_shared>>) offsets(%dma_start3A_699 : memref<128xi32, #tpu.memory_space<vmem>>) semaphore(%arg9 : memref<!tpu.dma_semaphore, #tpu.memory_space<semaphore_mem>>) {add = true}
      %mul3A_702 = arith.constant 8 : i32
      %mul3A_703 = arith.muli %add3A_656, %mul3A_702 : i32
      %add3A_704 = arith.constant 5 : i32
      %add3A_705 = arith.addi %mul3A_703, %add3A_704 : i32
      %dma_start3A_706 = arith.constant 0 : i32
      %dma_start3A_707 = tpu.memref_slice %arg4[%add3A_705, %dma_start3A_706] : memref<200x128xi32, #tpu.memory_space<vmem>> -> memref<1x128xi32, #tpu.memory_space<vmem>>
      %dma_start3A_708 = tpu.memref_squeeze %dma_start3A_707 : memref<1x128xi32, #tpu.memory_space<vmem>> -> memref<128xi32, #tpu.memory_space<vmem>>
      %dma_start3A_709 = arith.constant 0 : i32
      %dma_start3A_710 = tpu.memref_slice %arg8[%dma_start3A_709] : memref<1048576xf32, #tpu.memory_space<vmem_shared>> -> memref<1048576xf32, #tpu.memory_space<vmem_shared>>
      tpu.enqueue_indirect_dma source(%arg6 : memref<128xf32, #tpu.memory_space<vmem>>) target(%dma_start3A_710 : memref<1048576xf32, #tpu.memory_space<vmem_shared>>) offsets(%dma_start3A_708 : memref<128xi32, #tpu.memory_space<vmem>>) semaphore(%arg9 : memref<!tpu.dma_semaphore, #tpu.memory_space<semaphore_mem>>) {add = true}
      %mul3A_711 = arith.constant 8 : i32
      %mul3A_712 = arith.muli %add3A_656, %mul3A_711 : i32
      %add3A_713 = arith.constant 6 : i32
      %add3A_714 = arith.addi %mul3A_712, %add3A_713 : i32
      %dma_start3A_715 = arith.constant 0 : i32
      %dma_start3A_716 = tpu.memref_slice %arg4[%add3A_714, %dma_start3A_715] : memref<200x128xi32, #tpu.memory_space<vmem>> -> memref<1x128xi32, #tpu.memory_space<vmem>>
      %dma_start3A_717 = tpu.memref_squeeze %dma_start3A_716 : memref<1x128xi32, #tpu.memory_space<vmem>> -> memref<128xi32, #tpu.memory_space<vmem>>
      %dma_start3A_718 = arith.constant 0 : i32
      %dma_start3A_719 = tpu.memref_slice %arg8[%dma_start3A_718] : memref<1048576xf32, #tpu.memory_space<vmem_shared>> -> memref<1048576xf32, #tpu.memory_space<vmem_shared>>
      tpu.enqueue_indirect_dma source(%arg6 : memref<128xf32, #tpu.memory_space<vmem>>) target(%dma_start3A_719 : memref<1048576xf32, #tpu.memory_space<vmem_shared>>) offsets(%dma_start3A_717 : memref<128xi32, #tpu.memory_space<vmem>>) semaphore(%arg9 : memref<!tpu.dma_semaphore, #tpu.memory_space<semaphore_mem>>) {add = true}
      %mul3A_720 = arith.constant 8 : i32
      %mul3A_721 = arith.muli %add3A_656, %mul3A_720 : i32
      %add3A_722 = arith.constant 7 : i32
      %add3A_723 = arith.addi %mul3A_721, %add3A_722 : i32
      %dma_start3A_724 = arith.constant 0 : i32
      %dma_start3A_725 = tpu.memref_slice %arg4[%add3A_723, %dma_start3A_724] : memref<200x128xi32, #tpu.memory_space<vmem>> -> memref<1x128xi32, #tpu.memory_space<vmem>>
      %dma_start3A_726 = tpu.memref_squeeze %dma_start3A_725 : memref<1x128xi32, #tpu.memory_space<vmem>> -> memref<128xi32, #tpu.memory_space<vmem>>
      %dma_start3A_727 = arith.constant 0 : i32
      %dma_start3A_728 = tpu.memref_slice %arg8[%dma_start3A_727] : memref<1048576xf32, #tpu.memory_space<vmem_shared>> -> memref<1048576xf32, #tpu.memory_space<vmem_shared>>
      tpu.enqueue_indirect_dma source(%arg6 : memref<128xf32, #tpu.memory_space<vmem>>) target(%dma_start3A_728 : memref<1048576xf32, #tpu.memory_space<vmem_shared>>) offsets(%dma_start3A_726 : memref<128xi32, #tpu.memory_space<vmem>>) semaphore(%arg9 : memref<!tpu.dma_semaphore, #tpu.memory_space<semaphore_mem>>) {add = true}
      %dma_wait3A_729 = arith.constant 0 : i32
      %dma_wait3A_730 = arith.constant 0 : i32
      %dma_wait3A_731 = tpu.memref_slice %arg7[%dma_wait3A_730] : memref<8192xf32, #tpu.memory_space<vmem>> -> memref<1024xf32, #tpu.memory_space<vmem>>
      %dma_wait3A_732 = arith.constant 0 : i32
      %dma_wait3A_733 = tpu.memref_slice %arg3[%dma_wait3A_729, %dma_wait3A_732] : memref<2x1048576xf32, #tpu.memory_space<hbm>> -> memref<1x1024xf32, #tpu.memory_space<hbm>>
      %dma_wait3A_734 = tpu.memref_squeeze %dma_wait3A_733 : memref<1x1024xf32, #tpu.memory_space<hbm>> -> memref<1024xf32, #tpu.memory_space<hbm>>
      %dma_wait3A_735 = arith.constant 0 : i32
      %dma_wait3A_736 = tpu.memref_slice %arg7[%dma_wait3A_735] : memref<8192xf32, #tpu.memory_space<vmem>> -> memref<1024xf32, #tpu.memory_space<vmem>>
      %dma_wait3A_737 = arith.constant 0 : i32
      %dma_wait3A_738 = tpu.memref_slice %arg3[%dma_wait3A_729, %dma_wait3A_737] : memref<2x1048576xf32, #tpu.memory_space<hbm>> -> memref<1x1024xf32, #tpu.memory_space<hbm>>
      %dma_wait3A_739 = tpu.memref_squeeze %dma_wait3A_738 : memref<1x1024xf32, #tpu.memory_space<hbm>> -> memref<1024xf32, #tpu.memory_space<hbm>>
      tpu.wait_dma2 semaphore(%arg9 : memref<!tpu.dma_semaphore, #tpu.memory_space<semaphore_mem>>) src(%dma_wait3A_739 : memref<1024xf32, #tpu.memory_space<hbm>>) dst(%dma_wait3A_736 : memref<1024xf32, #tpu.memory_space<vmem>>)
      %scan3A_740 = arith.constant 0 : i32
      scf.yield %scan3A_740 : i32
    }
    %scan3A_491 = arith.constant 23 : i32
    %dma_wait3A_492 = arith.constant 0 : i32
    %dma_wait3A_493 = arith.constant 0 : i32
    %dma_wait3A_494 = tpu.memref_slice %arg7[%dma_wait3A_493] : memref<8192xf32, #tpu.memory_space<vmem>> -> memref<1024xf32, #tpu.memory_space<vmem>>
    %dma_wait3A_495 = arith.constant 0 : i32
    %dma_wait3A_496 = tpu.memref_slice %arg3[%dma_wait3A_492, %dma_wait3A_495] : memref<2x1048576xf32, #tpu.memory_space<hbm>> -> memref<1x1024xf32, #tpu.memory_space<hbm>>
    %dma_wait3A_497 = tpu.memref_squeeze %dma_wait3A_496 : memref<1x1024xf32, #tpu.memory_space<hbm>> -> memref<1024xf32, #tpu.memory_space<hbm>>
    %dma_wait3A_498 = arith.constant 0 : i32
    %dma_wait3A_499 = tpu.memref_slice %arg7[%dma_wait3A_498] : memref<8192xf32, #tpu.memory_space<vmem>> -> memref<1024xf32, #tpu.memory_space<vmem>>
    %dma_wait3A_500 = arith.constant 0 : i32
    %dma_wait3A_501 = tpu.memref_slice %arg3[%dma_wait3A_492, %dma_wait3A_500] : memref<2x1048576xf32, #tpu.memory_space<hbm>> -> memref<1x1024xf32, #tpu.memory_space<hbm>>
    %dma_wait3A_502 = tpu.memref_squeeze %dma_wait3A_501 : memref<1x1024xf32, #tpu.memory_space<hbm>> -> memref<1024xf32, #tpu.memory_space<hbm>>
    tpu.wait_dma2 semaphore(%arg9 : memref<!tpu.dma_semaphore, #tpu.memory_space<semaphore_mem>>) src(%dma_wait3A_502 : memref<1024xf32, #tpu.memory_space<hbm>>) dst(%dma_wait3A_499 : memref<1024xf32, #tpu.memory_space<vmem>>)
    %dma_wait3A_503 = arith.constant 0 : i32
    %dma_wait3A_504 = arith.constant 0 : i32
    %dma_wait3A_505 = tpu.memref_slice %arg7[%dma_wait3A_504] : memref<8192xf32, #tpu.memory_space<vmem>> -> memref<1024xf32, #tpu.memory_space<vmem>>
    %dma_wait3A_506 = arith.constant 0 : i32
    %dma_wait3A_507 = tpu.memref_slice %arg3[%dma_wait3A_503, %dma_wait3A_506] : memref<2x1048576xf32, #tpu.memory_space<hbm>> -> memref<1x1024xf32, #tpu.memory_space<hbm>>
    %dma_wait3A_508 = tpu.memref_squeeze %dma_wait3A_507 : memref<1x1024xf32, #tpu.memory_space<hbm>> -> memref<1024xf32, #tpu.memory_space<hbm>>
    %dma_wait3A_509 = arith.constant 0 : i32
    %dma_wait3A_510 = tpu.memref_slice %arg7[%dma_wait3A_509] : memref<8192xf32, #tpu.memory_space<vmem>> -> memref<1024xf32, #tpu.memory_space<vmem>>
    %dma_wait3A_511 = arith.constant 0 : i32
    %dma_wait3A_512 = tpu.memref_slice %arg3[%dma_wait3A_503, %dma_wait3A_511] : memref<2x1048576xf32, #tpu.memory_space<hbm>> -> memref<1x1024xf32, #tpu.memory_space<hbm>>
    %dma_wait3A_513 = tpu.memref_squeeze %dma_wait3A_512 : memref<1x1024xf32, #tpu.memory_space<hbm>> -> memref<1024xf32, #tpu.memory_space<hbm>>
    tpu.wait_dma2 semaphore(%arg9 : memref<!tpu.dma_semaphore, #tpu.memory_space<semaphore_mem>>) src(%dma_wait3A_513 : memref<1024xf32, #tpu.memory_space<hbm>>) dst(%dma_wait3A_510 : memref<1024xf32, #tpu.memory_space<vmem>>)
    %dma_wait3A_514 = arith.constant 3 : i32
    %dma_wait3A_515 = arith.constant 0 : i32
    %dma_wait3A_516 = arith.constant 0 : i32
    %dma_wait3A_517 = tpu.memref_slice %arg2[%add3A, %dma_wait3A_514, %dma_wait3A_515, %dma_wait3A_516] : memref<32x4x200x128xi32, #tpu.memory_space<hbm>> -> memref<1x1x200x128xi32, #tpu.memory_space<hbm>>
    %dma_wait3A_518 = tpu.memref_squeeze %dma_wait3A_517 : memref<1x1x200x128xi32, #tpu.memory_space<hbm>> -> memref<200x128xi32, #tpu.memory_space<hbm>>
    %dma_wait3A_519 = arith.constant 0 : i32
    %dma_wait3A_520 = arith.constant 0 : i32
    %dma_wait3A_521 = tpu.memref_slice %arg2[%add3A, %dma_wait3A_514, %dma_wait3A_519, %dma_wait3A_520] : memref<32x4x200x128xi32, #tpu.memory_space<hbm>> -> memref<1x1x200x128xi32, #tpu.memory_space<hbm>>
    %dma_wait3A_522 = tpu.memref_squeeze %dma_wait3A_521 : memref<1x1x200x128xi32, #tpu.memory_space<hbm>> -> memref<200x128xi32, #tpu.memory_space<hbm>>
    tpu.wait_dma2 semaphore(%arg11 : memref<!tpu.dma_semaphore, #tpu.memory_space<semaphore_mem>>) src(%dma_wait3A_522 : memref<200x128xi32, #tpu.memory_space<hbm>>) dst(%arg5 : memref<200x128xi32, #tpu.memory_space<vmem>>)
    %dma_start3A_523 = arith.constant 0 : i32
    %dma_start3A_524 = arith.constant 0 : i32
    %dma_start3A_525 = tpu.memref_slice %arg5[%dma_start3A_523, %dma_start3A_524] : memref<200x128xi32, #tpu.memory_space<vmem>> -> memref<1x128xi32, #tpu.memory_space<vmem>>
    %dma_start3A_526 = tpu.memref_squeeze %dma_start3A_525 : memref<1x128xi32, #tpu.memory_space<vmem>> -> memref<128xi32, #tpu.memory_space<vmem>>
    %dma_start3A_527 = arith.constant 0 : i32
    %dma_start3A_528 = tpu.memref_slice %arg8[%dma_start3A_527] : memref<1048576xf32, #tpu.memory_space<vmem_shared>> -> memref<1048576xf32, #tpu.memory_space<vmem_shared>>
    tpu.enqueue_indirect_dma source(%arg6 : memref<128xf32, #tpu.memory_space<vmem>>) target(%dma_start3A_528 : memref<1048576xf32, #tpu.memory_space<vmem_shared>>) offsets(%dma_start3A_526 : memref<128xi32, #tpu.memory_space<vmem>>) semaphore(%arg9 : memref<!tpu.dma_semaphore, #tpu.memory_space<semaphore_mem>>) {add = true}
    %dma_start3A_529 = arith.constant 1 : i32
    %dma_start3A_530 = arith.constant 0 : i32
    %dma_start3A_531 = tpu.memref_slice %arg5[%dma_start3A_529, %dma_start3A_530] : memref<200x128xi32, #tpu.memory_space<vmem>> -> memref<1x128xi32, #tpu.memory_space<vmem>>
    %dma_start3A_532 = tpu.memref_squeeze %dma_start3A_531 : memref<1x128xi32, #tpu.memory_space<vmem>> -> memref<128xi32, #tpu.memory_space<vmem>>
    %dma_start3A_533 = arith.constant 0 : i32
    %dma_start3A_534 = tpu.memref_slice %arg8[%dma_start3A_533] : memref<1048576xf32, #tpu.memory_space<vmem_shared>> -> memref<1048576xf32, #tpu.memory_space<vmem_shared>>
    tpu.enqueue_indirect_dma source(%arg6 : memref<128xf32, #tpu.memory_space<vmem>>) target(%dma_start3A_534 : memref<1048576xf32, #tpu.memory_space<vmem_shared>>) offsets(%dma_start3A_532 : memref<128xi32, #tpu.memory_space<vmem>>) semaphore(%arg9 : memref<!tpu.dma_semaphore, #tpu.memory_space<semaphore_mem>>) {add = true}
    %dma_start3A_535 = arith.constant 2 : i32
    %dma_start3A_536 = arith.constant 0 : i32
    %dma_start3A_537 = tpu.memref_slice %arg5[%dma_start3A_535, %dma_start3A_536] : memref<200x128xi32, #tpu.memory_space<vmem>> -> memref<1x128xi32, #tpu.memory_space<vmem>>
    %dma_start3A_538 = tpu.memref_squeeze %dma_start3A_537 : memref<1x128xi32, #tpu.memory_space<vmem>> -> memref<128xi32, #tpu.memory_space<vmem>>
    %dma_start3A_539 = arith.constant 0 : i32
    %dma_start3A_540 = tpu.memref_slice %arg8[%dma_start3A_539] : memref<1048576xf32, #tpu.memory_space<vmem_shared>> -> memref<1048576xf32, #tpu.memory_space<vmem_shared>>
    tpu.enqueue_indirect_dma source(%arg6 : memref<128xf32, #tpu.memory_space<vmem>>) target(%dma_start3A_540 : memref<1048576xf32, #tpu.memory_space<vmem_shared>>) offsets(%dma_start3A_538 : memref<128xi32, #tpu.memory_space<vmem>>) semaphore(%arg9 : memref<!tpu.dma_semaphore, #tpu.memory_space<semaphore_mem>>) {add = true}
    %dma_start3A_541 = arith.constant 3 : i32
    %dma_start3A_542 = arith.constant 0 : i32
    %dma_start3A_543 = tpu.memref_slice %arg5[%dma_start3A_541, %dma_start3A_542] : memref<200x128xi32, #tpu.memory_space<vmem>> -> memref<1x128xi32, #tpu.memory_space<vmem>>
    %dma_start3A_544 = tpu.memref_squeeze %dma_start3A_543 : memref<1x128xi32, #tpu.memory_space<vmem>> -> memref<128xi32, #tpu.memory_space<vmem>>
    %dma_start3A_545 = arith.constant 0 : i32
    %dma_start3A_546 = tpu.memref_slice %arg8[%dma_start3A_545] : memref<1048576xf32, #tpu.memory_space<vmem_shared>> -> memref<1048576xf32, #tpu.memory_space<vmem_shared>>
    tpu.enqueue_indirect_dma source(%arg6 : memref<128xf32, #tpu.memory_space<vmem>>) target(%dma_start3A_546 : memref<1048576xf32, #tpu.memory_space<vmem_shared>>) offsets(%dma_start3A_544 : memref<128xi32, #tpu.memory_space<vmem>>) semaphore(%arg9 : memref<!tpu.dma_semaphore, #tpu.memory_space<semaphore_mem>>) {add = true}
    %dma_start3A_547 = arith.constant 4 : i32
    %dma_start3A_548 = arith.constant 0 : i32
    %dma_start3A_549 = tpu.memref_slice %arg5[%dma_start3A_547, %dma_start3A_548] : memref<200x128xi32, #tpu.memory_space<vmem>> -> memref<1x128xi32, #tpu.memory_space<vmem>>
    %dma_start3A_550 = tpu.memref_squeeze %dma_start3A_549 : memref<1x128xi32, #tpu.memory_space<vmem>> -> memref<128xi32, #tpu.memory_space<vmem>>
    %dma_start3A_551 = arith.constant 0 : i32
    %dma_start3A_552 = tpu.memref_slice %arg8[%dma_start3A_551] : memref<1048576xf32, #tpu.memory_space<vmem_shared>> -> memref<1048576xf32, #tpu.memory_space<vmem_shared>>
    tpu.enqueue_indirect_dma source(%arg6 : memref<128xf32, #tpu.memory_space<vmem>>) target(%dma_start3A_552 : memref<1048576xf32, #tpu.memory_space<vmem_shared>>) offsets(%dma_start3A_550 : memref<128xi32, #tpu.memory_space<vmem>>) semaphore(%arg9 : memref<!tpu.dma_semaphore, #tpu.memory_space<semaphore_mem>>) {add = true}
    %dma_start3A_553 = arith.constant 5 : i32
    %dma_start3A_554 = arith.constant 0 : i32
    %dma_start3A_555 = tpu.memref_slice %arg5[%dma_start3A_553, %dma_start3A_554] : memref<200x128xi32, #tpu.memory_space<vmem>> -> memref<1x128xi32, #tpu.memory_space<vmem>>
    %dma_start3A_556 = tpu.memref_squeeze %dma_start3A_555 : memref<1x128xi32, #tpu.memory_space<vmem>> -> memref<128xi32, #tpu.memory_space<vmem>>
    %dma_start3A_557 = arith.constant 0 : i32
    %dma_start3A_558 = tpu.memref_slice %arg8[%dma_start3A_557] : memref<1048576xf32, #tpu.memory_space<vmem_shared>> -> memref<1048576xf32, #tpu.memory_space<vmem_shared>>
    tpu.enqueue_indirect_dma source(%arg6 : memref<128xf32, #tpu.memory_space<vmem>>) target(%dma_start3A_558 : memref<1048576xf32, #tpu.memory_space<vmem_shared>>) offsets(%dma_start3A_556 : memref<128xi32, #tpu.memory_space<vmem>>) semaphore(%arg9 : memref<!tpu.dma_semaphore, #tpu.memory_space<semaphore_mem>>) {add = true}
    %dma_start3A_559 = arith.constant 6 : i32
    %dma_start3A_560 = arith.constant 0 : i32
    %dma_start3A_561 = tpu.memref_slice %arg5[%dma_start3A_559, %dma_start3A_560] : memref<200x128xi32, #tpu.memory_space<vmem>> -> memref<1x128xi32, #tpu.memory_space<vmem>>
    %dma_start3A_562 = tpu.memref_squeeze %dma_start3A_561 : memref<1x128xi32, #tpu.memory_space<vmem>> -> memref<128xi32, #tpu.memory_space<vmem>>
    %dma_start3A_563 = arith.constant 0 : i32
    %dma_start3A_564 = tpu.memref_slice %arg8[%dma_start3A_563] : memref<1048576xf32, #tpu.memory_space<vmem_shared>> -> memref<1048576xf32, #tpu.memory_space<vmem_shared>>
    tpu.enqueue_indirect_dma source(%arg6 : memref<128xf32, #tpu.memory_space<vmem>>) target(%dma_start3A_564 : memref<1048576xf32, #tpu.memory_space<vmem_shared>>) offsets(%dma_start3A_562 : memref<128xi32, #tpu.memory_space<vmem>>) semaphore(%arg9 : memref<!tpu.dma_semaphore, #tpu.memory_space<semaphore_mem>>) {add = true}
    %dma_start3A_565 = arith.constant 7 : i32
    %dma_start3A_566 = arith.constant 0 : i32
    %dma_start3A_567 = tpu.memref_slice %arg5[%dma_start3A_565, %dma_start3A_566] : memref<200x128xi32, #tpu.memory_space<vmem>> -> memref<1x128xi32, #tpu.memory_space<vmem>>
    %dma_start3A_568 = tpu.memref_squeeze %dma_start3A_567 : memref<1x128xi32, #tpu.memory_space<vmem>> -> memref<128xi32, #tpu.memory_space<vmem>>
    %dma_start3A_569 = arith.constant 0 : i32
    %dma_start3A_570 = tpu.memref_slice %arg8[%dma_start3A_569] : memref<1048576xf32, #tpu.memory_space<vmem_shared>> -> memref<1048576xf32, #tpu.memory_space<vmem_shared>>
    tpu.enqueue_indirect_dma source(%arg6 : memref<128xf32, #tpu.memory_space<vmem>>) target(%dma_start3A_570 : memref<1048576xf32, #tpu.memory_space<vmem_shared>>) offsets(%dma_start3A_568 : memref<128xi32, #tpu.memory_space<vmem>>) semaphore(%arg9 : memref<!tpu.dma_semaphore, #tpu.memory_space<semaphore_mem>>) {add = true}
    %dma_start3A_571 = arith.constant 8 : i32
    %dma_start3A_572 = arith.constant 0 : i32
    %dma_start3A_573 = tpu.memref_slice %arg5[%dma_start3A_571, %dma_start3A_572] : memref<200x128xi32, #tpu.memory_space<vmem>> -> memref<1x128xi32, #tpu.memory_space<vmem>>
    %dma_start3A_574 = tpu.memref_squeeze %dma_start3A_573 : memref<1x128xi32, #tpu.memory_space<vmem>> -> memref<128xi32, #tpu.memory_space<vmem>>
    %dma_start3A_575 = arith.constant 0 : i32
    %dma_start3A_576 = tpu.memref_slice %arg8[%dma_start3A_575] : memref<1048576xf32, #tpu.memory_space<vmem_shared>> -> memref<1048576xf32, #tpu.memory_space<vmem_shared>>
    tpu.enqueue_indirect_dma source(%arg6 : memref<128xf32, #tpu.memory_space<vmem>>) target(%dma_start3A_576 : memref<1048576xf32, #tpu.memory_space<vmem_shared>>) offsets(%dma_start3A_574 : memref<128xi32, #tpu.memory_space<vmem>>) semaphore(%arg9 : memref<!tpu.dma_semaphore, #tpu.memory_space<semaphore_mem>>) {add = true}
    %dma_start3A_577 = arith.constant 9 : i32
    %dma_start3A_578 = arith.constant 0 : i32
    %dma_start3A_579 = tpu.memref_slice %arg5[%dma_start3A_577, %dma_start3A_578] : memref<200x128xi32, #tpu.memory_space<vmem>> -> memref<1x128xi32, #tpu.memory_space<vmem>>
    %dma_start3A_580 = tpu.memref_squeeze %dma_start3A_579 : memref<1x128xi32, #tpu.memory_space<vmem>> -> memref<128xi32, #tpu.memory_space<vmem>>
    %dma_start3A_581 = arith.constant 0 : i32
    %dma_start3A_582 = tpu.memref_slice %arg8[%dma_start3A_581] : memref<1048576xf32, #tpu.memory_space<vmem_shared>> -> memref<1048576xf32, #tpu.memory_space<vmem_shared>>
    tpu.enqueue_indirect_dma source(%arg6 : memref<128xf32, #tpu.memory_space<vmem>>) target(%dma_start3A_582 : memref<1048576xf32, #tpu.memory_space<vmem_shared>>) offsets(%dma_start3A_580 : memref<128xi32, #tpu.memory_space<vmem>>) semaphore(%arg9 : memref<!tpu.dma_semaphore, #tpu.memory_space<semaphore_mem>>) {add = true}
    %dma_start3A_583 = arith.constant 10 : i32
    %dma_start3A_584 = arith.constant 0 : i32
    %dma_start3A_585 = tpu.memref_slice %arg5[%dma_start3A_583, %dma_start3A_584] : memref<200x128xi32, #tpu.memory_space<vmem>> -> memref<1x128xi32, #tpu.memory_space<vmem>>
    %dma_start3A_586 = tpu.memref_squeeze %dma_start3A_585 : memref<1x128xi32, #tpu.memory_space<vmem>> -> memref<128xi32, #tpu.memory_space<vmem>>
    %dma_start3A_587 = arith.constant 0 : i32
    %dma_start3A_588 = tpu.memref_slice %arg8[%dma_start3A_587] : memref<1048576xf32, #tpu.memory_space<vmem_shared>> -> memref<1048576xf32, #tpu.memory_space<vmem_shared>>
    tpu.enqueue_indirect_dma source(%arg6 : memref<128xf32, #tpu.memory_space<vmem>>) target(%dma_start3A_588 : memref<1048576xf32, #tpu.memory_space<vmem_shared>>) offsets(%dma_start3A_586 : memref<128xi32, #tpu.memory_space<vmem>>) semaphore(%arg9 : memref<!tpu.dma_semaphore, #tpu.memory_space<semaphore_mem>>) {add = true}
    %dma_start3A_589 = arith.constant 11 : i32
    %dma_start3A_590 = arith.constant 0 : i32
    %dma_start3A_591 = tpu.memref_slice %arg5[%dma_start3A_589, %dma_start3A_590] : memref<200x128xi32, #tpu.memory_space<vmem>> -> memref<1x128xi32, #tpu.memory_space<vmem>>
    %dma_start3A_592 = tpu.memref_squeeze %dma_start3A_591 : memref<1x128xi32, #tpu.memory_space<vmem>> -> memref<128xi32, #tpu.memory_space<vmem>>
    %dma_start3A_593 = arith.constant 0 : i32
    %dma_start3A_594 = tpu.memref_slice %arg8[%dma_start3A_593] : memref<1048576xf32, #tpu.memory_space<vmem_shared>> -> memref<1048576xf32, #tpu.memory_space<vmem_shared>>
    tpu.enqueue_indirect_dma source(%arg6 : memref<128xf32, #tpu.memory_space<vmem>>) target(%dma_start3A_594 : memref<1048576xf32, #tpu.memory_space<vmem_shared>>) offsets(%dma_start3A_592 : memref<128xi32, #tpu.memory_space<vmem>>) semaphore(%arg9 : memref<!tpu.dma_semaphore, #tpu.memory_space<semaphore_mem>>) {add = true}
    %dma_start3A_595 = arith.constant 12 : i32
    %dma_start3A_596 = arith.constant 0 : i32
    %dma_start3A_597 = tpu.memref_slice %arg5[%dma_start3A_595, %dma_start3A_596] : memref<200x128xi32, #tpu.memory_space<vmem>> -> memref<1x128xi32, #tpu.memory_space<vmem>>
    %dma_start3A_598 = tpu.memref_squeeze %dma_start3A_597 : memref<1x128xi32, #tpu.memory_space<vmem>> -> memref<128xi32, #tpu.memory_space<vmem>>
    %dma_start3A_599 = arith.constant 0 : i32
    %dma_start3A_600 = tpu.memref_slice %arg8[%dma_start3A_599] : memref<1048576xf32, #tpu.memory_space<vmem_shared>> -> memref<1048576xf32, #tpu.memory_space<vmem_shared>>
    tpu.enqueue_indirect_dma source(%arg6 : memref<128xf32, #tpu.memory_space<vmem>>) target(%dma_start3A_600 : memref<1048576xf32, #tpu.memory_space<vmem_shared>>) offsets(%dma_start3A_598 : memref<128xi32, #tpu.memory_space<vmem>>) semaphore(%arg9 : memref<!tpu.dma_semaphore, #tpu.memory_space<semaphore_mem>>) {add = true}
    %dma_start3A_601 = arith.constant 13 : i32
    %dma_start3A_602 = arith.constant 0 : i32
    %dma_start3A_603 = tpu.memref_slice %arg5[%dma_start3A_601, %dma_start3A_602] : memref<200x128xi32, #tpu.memory_space<vmem>> -> memref<1x128xi32, #tpu.memory_space<vmem>>
    %dma_start3A_604 = tpu.memref_squeeze %dma_start3A_603 : memref<1x128xi32, #tpu.memory_space<vmem>> -> memref<128xi32, #tpu.memory_space<vmem>>
    %dma_start3A_605 = arith.constant 0 : i32
    %dma_start3A_606 = tpu.memref_slice %arg8[%dma_start3A_605] : memref<1048576xf32, #tpu.memory_space<vmem_shared>> -> memref<1048576xf32, #tpu.memory_space<vmem_shared>>
    tpu.enqueue_indirect_dma source(%arg6 : memref<128xf32, #tpu.memory_space<vmem>>) target(%dma_start3A_606 : memref<1048576xf32, #tpu.memory_space<vmem_shared>>) offsets(%dma_start3A_604 : memref<128xi32, #tpu.memory_space<vmem>>) semaphore(%arg9 : memref<!tpu.dma_semaphore, #tpu.memory_space<semaphore_mem>>) {add = true}
    %dma_start3A_607 = arith.constant 14 : i32
    %dma_start3A_608 = arith.constant 0 : i32
    %dma_start3A_609 = tpu.memref_slice %arg5[%dma_start3A_607, %dma_start3A_608] : memref<200x128xi32, #tpu.memory_space<vmem>> -> memref<1x128xi32, #tpu.memory_space<vmem>>
    %dma_start3A_610 = tpu.memref_squeeze %dma_start3A_609 : memref<1x128xi32, #tpu.memory_space<vmem>> -> memref<128xi32, #tpu.memory_space<vmem>>
    %dma_start3A_611 = arith.constant 0 : i32
    %dma_start3A_612 = tpu.memref_slice %arg8[%dma_start3A_611] : memref<1048576xf32, #tpu.memory_space<vmem_shared>> -> memref<1048576xf32, #tpu.memory_space<vmem_shared>>
    tpu.enqueue_indirect_dma source(%arg6 : memref<128xf32, #tpu.memory_space<vmem>>) target(%dma_start3A_612 : memref<1048576xf32, #tpu.memory_space<vmem_shared>>) offsets(%dma_start3A_610 : memref<128xi32, #tpu.memory_space<vmem>>) semaphore(%arg9 : memref<!tpu.dma_semaphore, #tpu.memory_space<semaphore_mem>>) {add = true}
    %dma_start3A_613 = arith.constant 15 : i32
    %dma_start3A_614 = arith.constant 0 : i32
    %dma_start3A_615 = tpu.memref_slice %arg5[%dma_start3A_613, %dma_start3A_614] : memref<200x128xi32, #tpu.memory_space<vmem>> -> memref<1x128xi32, #tpu.memory_space<vmem>>
    %dma_start3A_616 = tpu.memref_squeeze %dma_start3A_615 : memref<1x128xi32, #tpu.memory_space<vmem>> -> memref<128xi32, #tpu.memory_space<vmem>>
    %dma_start3A_617 = arith.constant 0 : i32
    %dma_start3A_618 = tpu.memref_slice %arg8[%dma_start3A_617] : memref<1048576xf32, #tpu.memory_space<vmem_shared>> -> memref<1048576xf32, #tpu.memory_space<vmem_shared>>
    tpu.enqueue_indirect_dma source(%arg6 : memref<128xf32, #tpu.memory_space<vmem>>) target(%dma_start3A_618 : memref<1048576xf32, #tpu.memory_space<vmem_shared>>) offsets(%dma_start3A_616 : memref<128xi32, #tpu.memory_space<vmem>>) semaphore(%arg9 : memref<!tpu.dma_semaphore, #tpu.memory_space<semaphore_mem>>) {add = true}
    %scan3A_619 = arith.constant 0 : i32
    %scan3A_620 = arith.constant 0 : i32
    %scan3A_621 = arith.constant 23 : i32
    %scan3A_622 = arith.addi %scan3A_620, %scan3A_621 : i32
    %scan3A_623 = arith.constant 1 : i32
    %scan3A_624 = scf.for %scan3A_653 = %scan3A_620 to %scan3A_622 step %scan3A_623 iter_args(%scan3A_654 = %scan3A_619) -> (i32)  : i32 {
      %add3A_655 = arith.constant 2 : i32
      %add3A_656 = arith.addi %scan3A_653, %add3A_655 : i32
      %mul3A_657 = arith.constant 8 : i32
      %mul3A_658 = arith.muli %add3A_656, %mul3A_657 : i32
      %add3A_659 = arith.constant 0 : i32
      %add3A_660 = arith.addi %mul3A_658, %add3A_659 : i32
      %dma_start3A_661 = arith.constant 0 : i32
      %dma_start3A_662 = tpu.memref_slice %arg5[%add3A_660, %dma_start3A_661] : memref<200x128xi32, #tpu.memory_space<vmem>> -> memref<1x128xi32, #tpu.memory_space<vmem>>
      %dma_start3A_663 = tpu.memref_squeeze %dma_start3A_662 : memref<1x128xi32, #tpu.memory_space<vmem>> -> memref<128xi32, #tpu.memory_space<vmem>>
      %dma_start3A_664 = arith.constant 0 : i32
      %dma_start3A_665 = tpu.memref_slice %arg8[%dma_start3A_664] : memref<1048576xf32, #tpu.memory_space<vmem_shared>> -> memref<1048576xf32, #tpu.memory_space<vmem_shared>>
      tpu.enqueue_indirect_dma source(%arg6 : memref<128xf32, #tpu.memory_space<vmem>>) target(%dma_start3A_665 : memref<1048576xf32, #tpu.memory_space<vmem_shared>>) offsets(%dma_start3A_663 : memref<128xi32, #tpu.memory_space<vmem>>) semaphore(%arg9 : memref<!tpu.dma_semaphore, #tpu.memory_space<semaphore_mem>>) {add = true}
      %mul3A_666 = arith.constant 8 : i32
      %mul3A_667 = arith.muli %add3A_656, %mul3A_666 : i32
      %add3A_668 = arith.constant 1 : i32
      %add3A_669 = arith.addi %mul3A_667, %add3A_668 : i32
      %dma_start3A_670 = arith.constant 0 : i32
      %dma_start3A_671 = tpu.memref_slice %arg5[%add3A_669, %dma_start3A_670] : memref<200x128xi32, #tpu.memory_space<vmem>> -> memref<1x128xi32, #tpu.memory_space<vmem>>
      %dma_start3A_672 = tpu.memref_squeeze %dma_start3A_671 : memref<1x128xi32, #tpu.memory_space<vmem>> -> memref<128xi32, #tpu.memory_space<vmem>>
      %dma_start3A_673 = arith.constant 0 : i32
      %dma_start3A_674 = tpu.memref_slice %arg8[%dma_start3A_673] : memref<1048576xf32, #tpu.memory_space<vmem_shared>> -> memref<1048576xf32, #tpu.memory_space<vmem_shared>>
      tpu.enqueue_indirect_dma source(%arg6 : memref<128xf32, #tpu.memory_space<vmem>>) target(%dma_start3A_674 : memref<1048576xf32, #tpu.memory_space<vmem_shared>>) offsets(%dma_start3A_672 : memref<128xi32, #tpu.memory_space<vmem>>) semaphore(%arg9 : memref<!tpu.dma_semaphore, #tpu.memory_space<semaphore_mem>>) {add = true}
      %mul3A_675 = arith.constant 8 : i32
      %mul3A_676 = arith.muli %add3A_656, %mul3A_675 : i32
      %add3A_677 = arith.constant 2 : i32
      %add3A_678 = arith.addi %mul3A_676, %add3A_677 : i32
      %dma_start3A_679 = arith.constant 0 : i32
      %dma_start3A_680 = tpu.memref_slice %arg5[%add3A_678, %dma_start3A_679] : memref<200x128xi32, #tpu.memory_space<vmem>> -> memref<1x128xi32, #tpu.memory_space<vmem>>
      %dma_start3A_681 = tpu.memref_squeeze %dma_start3A_680 : memref<1x128xi32, #tpu.memory_space<vmem>> -> memref<128xi32, #tpu.memory_space<vmem>>
      %dma_start3A_682 = arith.constant 0 : i32
      %dma_start3A_683 = tpu.memref_slice %arg8[%dma_start3A_682] : memref<1048576xf32, #tpu.memory_space<vmem_shared>> -> memref<1048576xf32, #tpu.memory_space<vmem_shared>>
      tpu.enqueue_indirect_dma source(%arg6 : memref<128xf32, #tpu.memory_space<vmem>>) target(%dma_start3A_683 : memref<1048576xf32, #tpu.memory_space<vmem_shared>>) offsets(%dma_start3A_681 : memref<128xi32, #tpu.memory_space<vmem>>) semaphore(%arg9 : memref<!tpu.dma_semaphore, #tpu.memory_space<semaphore_mem>>) {add = true}
      %mul3A_684 = arith.constant 8 : i32
      %mul3A_685 = arith.muli %add3A_656, %mul3A_684 : i32
      %add3A_686 = arith.constant 3 : i32
      %add3A_687 = arith.addi %mul3A_685, %add3A_686 : i32
      %dma_start3A_688 = arith.constant 0 : i32
      %dma_start3A_689 = tpu.memref_slice %arg5[%add3A_687, %dma_start3A_688] : memref<200x128xi32, #tpu.memory_space<vmem>> -> memref<1x128xi32, #tpu.memory_space<vmem>>
      %dma_start3A_690 = tpu.memref_squeeze %dma_start3A_689 : memref<1x128xi32, #tpu.memory_space<vmem>> -> memref<128xi32, #tpu.memory_space<vmem>>
      %dma_start3A_691 = arith.constant 0 : i32
      %dma_start3A_692 = tpu.memref_slice %arg8[%dma_start3A_691] : memref<1048576xf32, #tpu.memory_space<vmem_shared>> -> memref<1048576xf32, #tpu.memory_space<vmem_shared>>
      tpu.enqueue_indirect_dma source(%arg6 : memref<128xf32, #tpu.memory_space<vmem>>) target(%dma_start3A_692 : memref<1048576xf32, #tpu.memory_space<vmem_shared>>) offsets(%dma_start3A_690 : memref<128xi32, #tpu.memory_space<vmem>>) semaphore(%arg9 : memref<!tpu.dma_semaphore, #tpu.memory_space<semaphore_mem>>) {add = true}
      %mul3A_693 = arith.constant 8 : i32
      %mul3A_694 = arith.muli %add3A_656, %mul3A_693 : i32
      %add3A_695 = arith.constant 4 : i32
      %add3A_696 = arith.addi %mul3A_694, %add3A_695 : i32
      %dma_start3A_697 = arith.constant 0 : i32
      %dma_start3A_698 = tpu.memref_slice %arg5[%add3A_696, %dma_start3A_697] : memref<200x128xi32, #tpu.memory_space<vmem>> -> memref<1x128xi32, #tpu.memory_space<vmem>>
      %dma_start3A_699 = tpu.memref_squeeze %dma_start3A_698 : memref<1x128xi32, #tpu.memory_space<vmem>> -> memref<128xi32, #tpu.memory_space<vmem>>
      %dma_start3A_700 = arith.constant 0 : i32
      %dma_start3A_701 = tpu.memref_slice %arg8[%dma_start3A_700] : memref<1048576xf32, #tpu.memory_space<vmem_shared>> -> memref<1048576xf32, #tpu.memory_space<vmem_shared>>
      tpu.enqueue_indirect_dma source(%arg6 : memref<128xf32, #tpu.memory_space<vmem>>) target(%dma_start3A_701 : memref<1048576xf32, #tpu.memory_space<vmem_shared>>) offsets(%dma_start3A_699 : memref<128xi32, #tpu.memory_space<vmem>>) semaphore(%arg9 : memref<!tpu.dma_semaphore, #tpu.memory_space<semaphore_mem>>) {add = true}
      %mul3A_702 = arith.constant 8 : i32
      %mul3A_703 = arith.muli %add3A_656, %mul3A_702 : i32
      %add3A_704 = arith.constant 5 : i32
      %add3A_705 = arith.addi %mul3A_703, %add3A_704 : i32
      %dma_start3A_706 = arith.constant 0 : i32
      %dma_start3A_707 = tpu.memref_slice %arg5[%add3A_705, %dma_start3A_706] : memref<200x128xi32, #tpu.memory_space<vmem>> -> memref<1x128xi32, #tpu.memory_space<vmem>>
      %dma_start3A_708 = tpu.memref_squeeze %dma_start3A_707 : memref<1x128xi32, #tpu.memory_space<vmem>> -> memref<128xi32, #tpu.memory_space<vmem>>
      %dma_start3A_709 = arith.constant 0 : i32
      %dma_start3A_710 = tpu.memref_slice %arg8[%dma_start3A_709] : memref<1048576xf32, #tpu.memory_space<vmem_shared>> -> memref<1048576xf32, #tpu.memory_space<vmem_shared>>
      tpu.enqueue_indirect_dma source(%arg6 : memref<128xf32, #tpu.memory_space<vmem>>) target(%dma_start3A_710 : memref<1048576xf32, #tpu.memory_space<vmem_shared>>) offsets(%dma_start3A_708 : memref<128xi32, #tpu.memory_space<vmem>>) semaphore(%arg9 : memref<!tpu.dma_semaphore, #tpu.memory_space<semaphore_mem>>) {add = true}
      %mul3A_711 = arith.constant 8 : i32
      %mul3A_712 = arith.muli %add3A_656, %mul3A_711 : i32
      %add3A_713 = arith.constant 6 : i32
      %add3A_714 = arith.addi %mul3A_712, %add3A_713 : i32
      %dma_start3A_715 = arith.constant 0 : i32
      %dma_start3A_716 = tpu.memref_slice %arg5[%add3A_714, %dma_start3A_715] : memref<200x128xi32, #tpu.memory_space<vmem>> -> memref<1x128xi32, #tpu.memory_space<vmem>>
      %dma_start3A_717 = tpu.memref_squeeze %dma_start3A_716 : memref<1x128xi32, #tpu.memory_space<vmem>> -> memref<128xi32, #tpu.memory_space<vmem>>
      %dma_start3A_718 = arith.constant 0 : i32
      %dma_start3A_719 = tpu.memref_slice %arg8[%dma_start3A_718] : memref<1048576xf32, #tpu.memory_space<vmem_shared>> -> memref<1048576xf32, #tpu.memory_space<vmem_shared>>
      tpu.enqueue_indirect_dma source(%arg6 : memref<128xf32, #tpu.memory_space<vmem>>) target(%dma_start3A_719 : memref<1048576xf32, #tpu.memory_space<vmem_shared>>) offsets(%dma_start3A_717 : memref<128xi32, #tpu.memory_space<vmem>>) semaphore(%arg9 : memref<!tpu.dma_semaphore, #tpu.memory_space<semaphore_mem>>) {add = true}
      %mul3A_720 = arith.constant 8 : i32
      %mul3A_721 = arith.muli %add3A_656, %mul3A_720 : i32
      %add3A_722 = arith.constant 7 : i32
      %add3A_723 = arith.addi %mul3A_721, %add3A_722 : i32
      %dma_start3A_724 = arith.constant 0 : i32
      %dma_start3A_725 = tpu.memref_slice %arg5[%add3A_723, %dma_start3A_724] : memref<200x128xi32, #tpu.memory_space<vmem>> -> memref<1x128xi32, #tpu.memory_space<vmem>>
      %dma_start3A_726 = tpu.memref_squeeze %dma_start3A_725 : memref<1x128xi32, #tpu.memory_space<vmem>> -> memref<128xi32, #tpu.memory_space<vmem>>
      %dma_start3A_727 = arith.constant 0 : i32
      %dma_start3A_728 = tpu.memref_slice %arg8[%dma_start3A_727] : memref<1048576xf32, #tpu.memory_space<vmem_shared>> -> memref<1048576xf32, #tpu.memory_space<vmem_shared>>
      tpu.enqueue_indirect_dma source(%arg6 : memref<128xf32, #tpu.memory_space<vmem>>) target(%dma_start3A_728 : memref<1048576xf32, #tpu.memory_space<vmem_shared>>) offsets(%dma_start3A_726 : memref<128xi32, #tpu.memory_space<vmem>>) semaphore(%arg9 : memref<!tpu.dma_semaphore, #tpu.memory_space<semaphore_mem>>) {add = true}
      %dma_wait3A_729 = arith.constant 0 : i32
      %dma_wait3A_730 = arith.constant 0 : i32
      %dma_wait3A_731 = tpu.memref_slice %arg7[%dma_wait3A_730] : memref<8192xf32, #tpu.memory_space<vmem>> -> memref<1024xf32, #tpu.memory_space<vmem>>
      %dma_wait3A_732 = arith.constant 0 : i32
      %dma_wait3A_733 = tpu.memref_slice %arg3[%dma_wait3A_729, %dma_wait3A_732] : memref<2x1048576xf32, #tpu.memory_space<hbm>> -> memref<1x1024xf32, #tpu.memory_space<hbm>>
      %dma_wait3A_734 = tpu.memref_squeeze %dma_wait3A_733 : memref<1x1024xf32, #tpu.memory_space<hbm>> -> memref<1024xf32, #tpu.memory_space<hbm>>
      %dma_wait3A_735 = arith.constant 0 : i32
      %dma_wait3A_736 = tpu.memref_slice %arg7[%dma_wait3A_735] : memref<8192xf32, #tpu.memory_space<vmem>> -> memref<1024xf32, #tpu.memory_space<vmem>>
      %dma_wait3A_737 = arith.constant 0 : i32
      %dma_wait3A_738 = tpu.memref_slice %arg3[%dma_wait3A_729, %dma_wait3A_737] : memref<2x1048576xf32, #tpu.memory_space<hbm>> -> memref<1x1024xf32, #tpu.memory_space<hbm>>
      %dma_wait3A_739 = tpu.memref_squeeze %dma_wait3A_738 : memref<1x1024xf32, #tpu.memory_space<hbm>> -> memref<1024xf32, #tpu.memory_space<hbm>>
      tpu.wait_dma2 semaphore(%arg9 : memref<!tpu.dma_semaphore, #tpu.memory_space<semaphore_mem>>) src(%dma_wait3A_739 : memref<1024xf32, #tpu.memory_space<hbm>>) dst(%dma_wait3A_736 : memref<1024xf32, #tpu.memory_space<vmem>>)
      %scan3A_740 = arith.constant 0 : i32
      scf.yield %scan3A_740 : i32
    }
    %scan3A_625 = arith.constant 23 : i32
    %dma_wait3A_626 = arith.constant 0 : i32
    %dma_wait3A_627 = arith.constant 0 : i32
    %dma_wait3A_628 = tpu.memref_slice %arg7[%dma_wait3A_627] : memref<8192xf32, #tpu.memory_space<vmem>> -> memref<1024xf32, #tpu.memory_space<vmem>>
    %dma_wait3A_629 = arith.constant 0 : i32
    %dma_wait3A_630 = tpu.memref_slice %arg3[%dma_wait3A_626, %dma_wait3A_629] : memref<2x1048576xf32, #tpu.memory_space<hbm>> -> memref<1x1024xf32, #tpu.memory_space<hbm>>
    %dma_wait3A_631 = tpu.memref_squeeze %dma_wait3A_630 : memref<1x1024xf32, #tpu.memory_space<hbm>> -> memref<1024xf32, #tpu.memory_space<hbm>>
    %dma_wait3A_632 = arith.constant 0 : i32
    %dma_wait3A_633 = tpu.memref_slice %arg7[%dma_wait3A_632] : memref<8192xf32, #tpu.memory_space<vmem>> -> memref<1024xf32, #tpu.memory_space<vmem>>
    %dma_wait3A_634 = arith.constant 0 : i32
    %dma_wait3A_635 = tpu.memref_slice %arg3[%dma_wait3A_626, %dma_wait3A_634] : memref<2x1048576xf32, #tpu.memory_space<hbm>> -> memref<1x1024xf32, #tpu.memory_space<hbm>>
    %dma_wait3A_636 = tpu.memref_squeeze %dma_wait3A_635 : memref<1x1024xf32, #tpu.memory_space<hbm>> -> memref<1024xf32, #tpu.memory_space<hbm>>
    tpu.wait_dma2 semaphore(%arg9 : memref<!tpu.dma_semaphore, #tpu.memory_space<semaphore_mem>>) src(%dma_wait3A_636 : memref<1024xf32, #tpu.memory_space<hbm>>) dst(%dma_wait3A_633 : memref<1024xf32, #tpu.memory_space<vmem>>)
    %dma_wait3A_637 = arith.constant 0 : i32
    %dma_wait3A_638 = arith.constant 0 : i32
    %dma_wait3A_639 = tpu.memref_slice %arg7[%dma_wait3A_638] : memref<8192xf32, #tpu.memory_space<vmem>> -> memref<1024xf32, #tpu.memory_space<vmem>>
    %dma_wait3A_640 = arith.constant 0 : i32
    %dma_wait3A_641 = tpu.memref_slice %arg3[%dma_wait3A_637, %dma_wait3A_640] : memref<2x1048576xf32, #tpu.memory_space<hbm>> -> memref<1x1024xf32, #tpu.memory_space<hbm>>
    %dma_wait3A_642 = tpu.memref_squeeze %dma_wait3A_641 : memref<1x1024xf32, #tpu.memory_space<hbm>> -> memref<1024xf32, #tpu.memory_space<hbm>>
    %dma_wait3A_643 = arith.constant 0 : i32
    %dma_wait3A_644 = tpu.memref_slice %arg7[%dma_wait3A_643] : memref<8192xf32, #tpu.memory_space<vmem>> -> memref<1024xf32, #tpu.memory_space<vmem>>
    %dma_wait3A_645 = arith.constant 0 : i32
    %dma_wait3A_646 = tpu.memref_slice %arg3[%dma_wait3A_637, %dma_wait3A_645] : memref<2x1048576xf32, #tpu.memory_space<hbm>> -> memref<1x1024xf32, #tpu.memory_space<hbm>>
    %dma_wait3A_647 = tpu.memref_squeeze %dma_wait3A_646 : memref<1x1024xf32, #tpu.memory_space<hbm>> -> memref<1024xf32, #tpu.memory_space<hbm>>
    tpu.wait_dma2 semaphore(%arg9 : memref<!tpu.dma_semaphore, #tpu.memory_space<semaphore_mem>>) src(%dma_wait3A_647 : memref<1024xf32, #tpu.memory_space<hbm>>) dst(%dma_wait3A_644 : memref<1024xf32, #tpu.memory_space<vmem>>)
    %barrier3A_648 = arith.constant 0 : index
    tpu.barrier barrier_id(%barrier3A_648)
    %mul3A_649 = arith.constant 65536 : i32
    %mul3A_650 = arith.muli %arg1, %mul3A_649 : i32
    %mul3A_651 = arith.constant 65536 : i32
    %mul3A_652 = arith.muli %arg1, %mul3A_651 : i32
    "tpu.region"() ({
      %run_scoped3A = tpu.sem_alloc : memref<!tpu.dma_semaphore, #tpu.memory_space<semaphore_mem>>
      %dma_start3A_653 = tpu.memref_slice %arg3[%arg0, %mul3A_652] : memref<2x1048576xf32, #tpu.memory_space<hbm>> -> memref<1x65536xf32, #tpu.memory_space<hbm>>
      %dma_start3A_654 = tpu.memref_squeeze %dma_start3A_653 : memref<1x65536xf32, #tpu.memory_space<hbm>> -> memref<65536xf32, #tpu.memory_space<hbm>>
      %dma_start3A_655 = tpu.memref_slice %arg8[%mul3A_650] : memref<1048576xf32, #tpu.memory_space<vmem_shared>> -> memref<65536xf32, #tpu.memory_space<vmem_shared>>
      tpu.enqueue_dma source(%dma_start3A_655 : memref<65536xf32, #tpu.memory_space<vmem_shared>>) target(%dma_start3A_654 : memref<65536xf32, #tpu.memory_space<hbm>>) target_semaphore(%run_scoped3A : memref<!tpu.dma_semaphore, #tpu.memory_space<semaphore_mem>>)
      %dma_wait3A_656 = tpu.memref_slice %arg3[%arg0, %mul3A_652] : memref<2x1048576xf32, #tpu.memory_space<hbm>> -> memref<1x65536xf32, #tpu.memory_space<hbm>>
      %dma_wait3A_657 = tpu.memref_squeeze %dma_wait3A_656 : memref<1x65536xf32, #tpu.memory_space<hbm>> -> memref<65536xf32, #tpu.memory_space<hbm>>
      %dma_wait3A_658 = tpu.memref_slice %arg8[%mul3A_650] : memref<1048576xf32, #tpu.memory_space<vmem_shared>> -> memref<65536xf32, #tpu.memory_space<vmem_shared>>
      tpu.wait_dma2 semaphore(%run_scoped3A : memref<!tpu.dma_semaphore, #tpu.memory_space<semaphore_mem>>) src(%dma_wait3A_658 : memref<65536xf32, #tpu.memory_space<vmem_shared>>) dst(%dma_wait3A_657 : memref<65536xf32, #tpu.memory_space<hbm>>)
      tpu.yield
    }) : () -> ()
    return
  }
}

module attributes {stable_mosaic.version = 14 : i64} {
  func.func @_tc_wsum_body(%arg0: i32, %arg1: memref<2x131072xf32, #tpu.memory_space<vmem>>, %arg2: memref<16x131072xf32, #tpu.memory_space<vmem>>, %arg3: memref<16x1xf32, #tpu.memory_space<vmem>>) attributes {dimension_semantics = [#tpu.dimension_semantics<arbitrary>], iteration_bounds = array<i64: 8>, scalar_prefetch = 0 : i64, scratch_operands = 0 : i64, tpu.core_type = #tpu.core_type<tc>, window_params = [{transform_indices = @transform_0, window_bounds = array<i64: 2, 131072>}, {transform_indices = @transform_1, window_bounds = array<i64: 16, 131072>}, {pipeline_mode = #tpu.pipeline_mode<synchronous>, transform_indices = @transform_2, window_bounds = array<i64: 16, 1>}]} {
    %eq3A = arith.constant 0 : i32
    %eq3A_0 = arith.cmpi eq, %arg0, %eq3A : i32
    %convert_element_type3A = arith.extui %eq3A_0 : i1 to i32
    %cond3A = arith.constant 0 : i32
    %cond3A_1 = arith.cmpi ne, %convert_element_type3A, %cond3A : i32
    scf.if %cond3A_1 {
      %broadcast_in_dim3A_25 = arith.constant 0.000000e+00 : f32
      %broadcast_in_dim3A_26 = vector.broadcast %broadcast_in_dim3A_25 : f32 to vector<16x1xf32>
      %swap3A_27 = arith.constant 0 : index
      %swap3A_28 = arith.constant 0 : index
      %swap3A_29 = vector.load %arg3[%swap3A_27, %swap3A_28] : memref<16x1xf32, #tpu.memory_space<vmem>>, vector<16x1xf32>
      tpu.vector_store %arg3[%swap3A_27, %swap3A_28], %broadcast_in_dim3A_26 {strides = array<i32>} : memref<16x1xf32, #tpu.memory_space<vmem>>, vector<16x1xf32>,
    } else {
    }
    %get3A = arith.constant 0 : index
    %get3A_2 = arith.constant 0 : index
    %get3A_3 = vector.load %arg1[%get3A, %get3A_2] : memref<2x131072xf32, #tpu.memory_space<vmem>>, vector<1x131072xf32>
    %get3A_4 = arith.constant 1 : index
    %get3A_5 = arith.constant 0 : index
    %get3A_6 = vector.load %arg1[%get3A_4, %get3A_5] : memref<2x131072xf32, #tpu.memory_space<vmem>>, vector<1x131072xf32>
    %add3A = arith.addf %get3A_3, %get3A_6 : vector<1x131072xf32>
    %get3A_7 = arith.constant 0 : index
    %get3A_8 = arith.constant 0 : index
    %get3A_9 = vector.load %arg2[%get3A_7, %get3A_8] : memref<16x131072xf32, #tpu.memory_space<vmem>>, vector<16x131072xf32>
    %mul3A = arith.constant 131072 : i32
    %mul3A_10 = arith.muli %arg0, %mul3A : i32
    %iota3A = tpu.iota {dimensions = array<i32: 1>} : vector<16x131072xi32>
    %add3A_11 = vector.broadcast %mul3A_10 : i32 to vector<16x131072xi32>
    %add3A_12 = arith.addi %add3A_11, %iota3A : vector<16x131072xi32>
    %lt3A = arith.constant 1000000 : i32
    %lt3A_13 = vector.broadcast %lt3A : i32 to vector<16x131072xi32>
    %lt3A_14 = arith.cmpi slt, %add3A_12, %lt3A_13 : vector<16x131072xi32>
    %mul3A_15 = vector.broadcast %add3A : vector<1x131072xf32> to vector<16x131072xf32>
    %mul3A_16 = arith.mulf %get3A_9, %mul3A_15 : vector<16x131072xf32>
    %jit3A = arith.constant 0.000000e+00 : f32
    %broadcast_in_dim3A = vector.broadcast %jit3A : f32 to vector<16x131072xf32>
    %select_n3A = arith.select %lt3A_14, %mul3A_16, %broadcast_in_dim3A : vector<16x131072xi1>, vector<16x131072xf32>
    %get3A_17 = arith.constant 0 : index
    %get3A_18 = arith.constant 0 : index
    %get3A_19 = vector.load %arg3[%get3A_17, %get3A_18] : memref<16x1xf32, #tpu.memory_space<vmem>>, vector<16x1xf32>
    %reduce_sum3A = arith.constant dense<0.000000e+00> : vector<16xf32>
    %reduce_sum3A_20 = vector.multi_reduction <add>, %select_n3A, %reduce_sum3A [1] : vector<16x131072xf32> to vector<16xf32>
    %broadcast_in_dim3A_21 = vector.shape_cast %reduce_sum3A_20 : vector<16xf32> to vector<16x1xf32>
    %add3A_22 = arith.addf %get3A_19, %broadcast_in_dim3A_21 : vector<16x1xf32>
    %swap3A = arith.constant 0 : index
    %swap3A_23 = arith.constant 0 : index
    %swap3A_24 = vector.load %arg3[%swap3A, %swap3A_23] : memref<16x1xf32, #tpu.memory_space<vmem>>, vector<16x1xf32>
    tpu.vector_store %arg3[%swap3A, %swap3A_23], %add3A_22 {strides = array<i32>} : memref<16x1xf32, #tpu.memory_space<vmem>>, vector<16x1xf32>,
    return
  }
  func.func @transform_0(%arg0: i32) -> (i32, i32) {
    %c0_i32 = arith.constant 0 : i32
    %c0_i32_0 = arith.constant 0 : i32
    return %c0_i32, %arg0 : i32, i32
  }
  func.func @transform_1(%arg0: i32) -> (i32, i32) {
    %c0_i32 = arith.constant 0 : i32
    %c0_i32_0 = arith.constant 0 : i32
    return %c0_i32, %arg0 : i32, i32
  }
  func.func @transform_2(%arg0: i32) -> (i32, i32) {
    %c0_i32 = arith.constant 0 : i32
    %c0_i32_0 = arith.constant 0 : i32
    %c0_i32_1 = arith.constant 0 : i32
    return %c0_i32, %c0_i32_0 : i32, i32
  }
}

</mosaic_0001>

<sc_bundles>
// kernel: kernel.4.cloned.1.call-start
scs
__scs_entry_jumppad:
0x0: {  	(pc) =	sbr.rel $0x88, $3  }
0x1: {  	(tag) =	ssettag $0x0;
	lr =	simm.s32 $0x1  }
0x2: {  	[smem:$0x3F9F] =	sst lr;
	_ =	strace $0xD0000000  }
0x3: {  	_ = 	snop  }
0x4: {  	_ = 	snop  }
0x5: {  	_ = 	snop  }
0x6: {  	_ = 	snop  }
0x7: {  	_ = 	snop  }
__scs_overlays_trampoline_lowered:
0x8: {  	[smem:$0x3FAE] =	sst s0  }
0x9: {  	[smem:$0x3FAF] =	sst s1  }
0xa: {  	[smem:$0x3FB0] =	sst s2  }
0xb: {  	[smem:$0x3FB1] =	sst s3  }
0xc: {  	[smem:$0x3FB2] =	sst s4  }
0xd: {  	[smem:$0x3FB3] =	sst s5  }
0xe: {  	[smem:$0x3FB4] =	sst s6  }
0xf: {  	[smem:$0x3FB5] =	sst s7  }
0x10: {  	[smem:$0x3FB6] =	sst s8  }
0x11: {  	[smem:$0x3FB7] =	sst s9;
	s0 =	simm.s32 @!p0 $0x0  }
0x12: {  	s1 =	sld [smem:$0x3F9D];
	s0 =	simm.s32 @p0 $0x1  }
0x13: {  	[smem:$0x3FB8] =	sst s0;
	s0 =	simm.s32 @!p1 $0x0  }
0x14: {  	s2 =	sld [smem:$0x3F9C];
	s0 =	simm.s32 @p1 $0x1  }
0x15: {  	[smem:$0x3FB9] =	sst s0;
	s0 =	simm.s32 @!p2 $0x0  }
0x16: {  	s3 =	sld [smem:$0x3FDB];
	s0 =	simm.s32 @p2 $0x1  }
0x17: {  	s4 =	simm.s32 $0x1BF5;
	[smem:$0x3FBB] =	sst s0  }
0x18: {  	s0 =	sld [smem:$0x3F9E];
	_ =	swait.ge [sflag:s4], $0x0  }
0x19: {  	s7 =	sld [smem:$0x3F9F]  }
0x1a: {  	s8 =	sadd.s32 $0xFFFFE003, lr  }
0x1b: {  	s9 =	sadd.s32 $0xFFFFFEF7, lr;
	s5 =	simm.s32 $0xFFFFFFFF;
	p2 =	slt.u32 s8, $0xFFFFF086  }
0x1c: {  	p1 =	slt.u32 s9, $0xF7A;
	s5 =	simm.s32 @!p2 $0x0  }
0x1d: {  	s5 =	simm.s32 @p1 $0x1;
	p0 =	seq.s32 s7, s2  }
0x1e: {  	s7 =	smul.u32 @!p0 $0xF7A, s2;
	p2 =	seq.s32 @!p0 s5, $0x0  }
0x1f: {  	s9 =	smul.u32 $0xF7A, s1;
	s8 =	simm.s32 @!p0 $0x1BF5;
	p2 =	por !p2, p0  }
0x20: {  	[sflag:s8] =	ssyncset.s32 @!p0 $0xFFFFF086;
	s6 =	sadd.s32 @!p0 s3, s7;
	s7 =	simm.s32 @!p0 $0x108  }
0x21: {  	s3 =	sadd.s32 s3, s9;
	s6 =	sadd.s32 @!p0 $0x88, s6;
	s7 =	simm.s32 @p2 $0x1082  }
0x22: {  	[simem:s7], [sflag:s8] =	dma.local @!p0 [hbm:s6], $0xF7A  }
0x23: {  	s9 =	sor.u32 $0xD0000000, s2;
	s6 =	simm.s32 $0x108;
	_ =	swait.ge @!p0 [sflag:s8], $0x0  }
0x24: {  	s3 =	sadd.s32 $0x88, s3;
	s6 =	simm.s32 @!p1 $0x1082;
	[sflag:s4] =	ssyncset.s32 $0xFFFFF086  }
0x25: {  	[simem:s6], [sflag:s4] =	dma.local [hbm:s3], $0xF7A  }
0x26: {  	[smem:$0x3F9F] =	sst s1;
	(tag) =	ssettag s2;
	_ =	strace s9  }
0x27: {  	s1 =	sld [smem:$0x3FAF]  }
0x28: {  	s2 =	sld [smem:$0x3FB0]  }
0x29: {  	s4 =	sld [smem:$0x3FB2]  }
0x2a: {  	p0 =	seq.s32 s5, $0x0;
	s5 =	sld [smem:$0x3FB3]  }
0x2b: {  	s6 =	sld [smem:$0x3FB4]  }
0x2c: {  	s7 =	sld [smem:$0x3FB5]  }
0x2d: {  	s3 =	simm.s32 $0x108;
	s8 =	sld [smem:$0x3FB6]  }
0x2e: {  	s3 =	simm.s32 @!p0 $0x1082;
	s9 =	sld [smem:$0x3FB7]  }
0x2f: {  	lr =	sadd.s32 s0, s3;
	s0 =	sld [smem:$0x3FAE]  }
0x30: {  	s3 =	sld [smem:$0x3FB1]  }
0x31: {  	[smem:$0x3FBA] =	sst s10  }
0x32: {  	s10 =	sld [smem:$0x3FB8];
	_ =	sdelay $0x3  }
0x33: {  	p0 =	seq.s32 s10, $0x1;
	s10 =	sld [smem:$0x3FBA];
	_ =	sdelay $0x3  }
0x34: {  	[smem:$0x3FBA] =	sst s10  }
0x35: {  	s10 =	sld [smem:$0x3FB9];
	_ =	sdelay $0x3  }
0x36: {  	p1 =	seq.s32 s10, $0x1;
	s10 =	sld [smem:$0x3FBA];
	_ =	sdelay $0x3  }
0x37: {  	[smem:$0x3FBA] =	sst s10  }
0x38: {  	s10 =	sld [smem:$0x3FBB]  }
0x39: {  	_ = 	snop;
	(pc) =	sbr.ind lr, $3  }
0x3a: {  	_ = 	snop  }
0x3b: {  	_ = 	snop  }
0x3c: {  	p2 =	seq.s32 s10, $0x1;
	s10 =	sld [smem:$0x3FBA]  }
0x3d: {  	_ =	shalt  }
0x3e: {  	_ =	shalt  }
0x3f: {  	_ =	shalt  }
0x40: {  	_ =	shalt  }
0x41: {  	_ =	shalt  }
0x42: {  	_ =	shalt  }
0x43: {  	_ =	shalt  }
0x44: {  	_ =	shalt  }
0x45: {  	_ =	shalt  }
0x46: {  	_ =	shalt  }
0x47: {  	_ =	shalt  }
0x48: {  	_ =	shalt  }
0x49: {  	_ =	shalt  }
0x4a: {  	_ =	shalt  }
0x4b: {  	_ =	shalt  }
0x4c: {  	_ =	shalt  }
0x4d: {  	_ =	shalt  }
0x4e: {  	_ =	shalt  }
0x4f: {  	_ =	shalt  }
0x50: {  	_ =	shalt  }
0x51: {  	_ =	shalt  }
0x52: {  	_ =	shalt  }
0x53: {  	_ =	shalt  }
0x54: {  	_ =	shalt  }
0x55: {  	_ =	shalt  }
0x56: {  	_ =	shalt  }
0x57: {  	_ =	shalt  }
0x58: {  	_ =	shalt  }
0x59: {  	_ =	shalt  }
0x5a: {  	_ =	shalt  }
0x5b: {  	_ =	shalt  }
0x5c: {  	_ =	shalt  }
0x5d: {  	_ =	shalt  }
0x5e: {  	_ =	shalt  }
0x5f: {  	_ =	shalt  }
0x60: {  	_ =	shalt  }
0x61: {  	_ =	shalt  }
0x62: {  	_ =	shalt  }
0x63: {  	_ =	shalt  }
0x64: {  	_ =	shalt  }
0x65: {  	_ =	shalt  }
0x66: {  	_ =	shalt  }
0x67: {  	_ =	shalt  }
0x68: {  	_ =	shalt  }
0x69: {  	_ =	shalt  }
0x6a: {  	_ =	shalt  }
0x6b: {  	_ =	shalt  }
0x6c: {  	_ =	shalt  }
0x6d: {  	_ =	shalt  }
0x6e: {  	_ =	shalt  }
0x6f: {  	_ =	shalt  }
0x70: {  	_ =	shalt  }
0x71: {  	_ =	shalt  }
0x72: {  	_ =	shalt  }
0x73: {  	_ =	shalt  }
0x74: {  	_ =	shalt  }
0x75: {  	_ =	shalt  }
0x76: {  	_ =	shalt  }
0x77: {  	_ =	shalt  }
0x78: {  	_ =	shalt  }
0x79: {  	_ =	shalt  }
0x7a: {  	_ =	shalt  }
0x7b: {  	_ =	shalt  }
0x7c: {  	_ =	shalt  }
0x7d: {  	_ =	shalt  }
0x7e: {  	_ =	shalt  }
0x7f: {  	_ =	shalt  }
0x80: {  	_ =	shalt  }
0x81: {  	_ =	shalt  }
0x82: {  	_ =	shalt  }
0x83: {  	_ =	shalt  }
0x84: {  	_ =	shalt  }
0x85: {  	_ =	shalt  }
0x86: {  	_ =	shalt  }
0x87: {  	_ =	shalt  }
.Lfunc_end0:
.L_simem_size_0:
called_computation_lowered:
.L_overlay_start_0:
0x88: {  	s2 =	sld [smem:$0x3FD9]  }
0x89: {  	s3 =	sld [smem:$0x3FFE];
	_ =	sdelay $0x1  }
0x8a: {  	s1 =	srdreg.scid  }
0x8b: {  	s0 =	sand.u32 $0x1, s1  }
0x8c: {  	s17 =	sshll.u32 s0, $0xA;
	s2 =	sadd.s32 s3, s2  }
0x8d: {  	s2 =	sadd.s32 s2, s17  }
0x8e: {  	[smem:$0x3FC6] =	sst s2  }
0x8f: {  	_ = 	snop  }
0x90: {  	s2 =	sld [smem:$0x3FC9];
	(tm) =	ssettm $0x1  }
0x91: {  	s18 =	sld [smem:$0x3FFB];
	_ =	sdelay $0x3  }
0x92: {  	_ =	strace s18  }
0x93: {  	s3 =	sld [smem:$0x3FFC];
	_ =	sdelay $0x3  }
0x94: {  	_ =	strace s3  }
0x95: {  	s3 =	sld [smem:$0x3FFD];
	_ =	sdelay $0x3  }
0x96: {  	_ =	strace s3  }
0x97: {  	_ =	strace $0x8FFFFFFF  }
0x98: {  	s19 =	sld [smem:$0x3FDB];
	_ =	sdelay $0x1  }
0x99: {  	s4 =	simm.s32 $_scs_section_size  }
0x9a: {  	s5 =	simm.s32 $_size__tile_overlayer_lowered;
	s6 =	simm.s32 $_tile_overlayer_lowered  }
0x9b: {  	s22 =	simm.s32 $0x1BFF;
	s21 =	sshll.u32 s6, $0x1;
	s3 =	sadd.s32 s4, s19  }
0x9c: {  	s7 =	simm.s32 $0x0;
	s20 =	sshll.u32 s5, $0x1;
	s5 =	sadd.s32 s21, s3  }
0x9d: {  	[timem:s7], [sflag:s22] =	dma.local [hbm:s5], s20  }
0x9e: {  	_ =	swait.ge [sflag:s22], s20  }
0x9f: {  	s4 =	ssub.s32 $0x0, s20;
	[sflag:s22] =	ssyncset.done $0x0  }
0xa0: {  	[sflag:s22] =	ssyncadd.s32 s4;
	_ =	sdelay $0x1  }
0xa1: {  	s23 =	simm.s32 $0x1B8B  }
0xa2: {  	_ =	swait.ge [sflag:s23], $0x1  }
0xa3: {  	[sflag:s23] =	ssyncset.done $0x0  }
0xa4: {  	s25 =	simm.s32 $0x1B8E;
	s24 =	sld [smem:$0x3FFE];
	[sflag:s23] =	ssyncadd.s32 $0xFFFFFFFF  }
0xa5: {  	s26 =	simm.s32 $execute0_lowered;
	[smem:$0x3FD2] =	sst s25  }
0xa6: {  	s5 =	sshll.u32 s26, $0x1;
	_ =	strace $0x80000046;
	[dreg:$0x1] =	wrdreg $0xFFFFFFFF  }
0xa7: {  	s28 =	simm.s32 $_size_execute0_lowered;
	s3 =	sadd.s32 s3, s5;
	[dreg:$0x0] =	wrdreg $0x0  }
0xa8: {  	s5 =	sshll.u32 s28, $0x1;
	[dreg:$0x2] =	wrdreg s3  }
0xa9: {  	[dreg:$0x3] =	wrdreg s5  }
0xaa: {  	[dreg:$0x4] =	wrdreg $0xC0  }
0xab: {  	_ =	task [dreg:s7], $0x5FFFF  }
0xac: {  	[dreg:$0x1] =	wrdreg $0xFFFFFFFF  }
0xad: {  	[dreg:$0x0] =	wrdreg $0x60  }
0xae: {  	[dreg:$0x2] =	wrdreg s2  }
0xaf: {  	[dreg:$0x3] =	wrdreg s24  }
0xb0: {  	[dreg:$0x4] =	wrdreg $0xE8800  }
0xb1: {  	[dreg:$0x5] =	wrdreg $0x9  }
0xb2: {  	_ =	task.clear_ibuf [dreg:s7], $0x6FFFF;
	_ =	strace $0x90000046  }
0xb3: {  	s29 =	simm.s32 $0x9;
	_ =	strace $0x80000048  }
0xb4: {  	_ =	swait.ge [sflag:s29], $0x1  }
0xb5: {  	[sflag:s29] =	ssyncadd.s32 $0xFFFFFFFF  }
0xb6: {  	_ =	strace $0x90000048  }
0xb7: {  	_ =	sfence  }
0xb8: {  	s30 =	sld [smem:$0x0];
	_ =	sdelay $0x2  }
0xb9: {  	s31 =	sshll.u32 s1, $0xD;
	s1 =	sshrl.u32 s1, $0x2  }
0xba: {  	s3 =	sand.u32 $0x4000, s31;
	s1 =	sadd.s32 s1, s30  }
0xbb: {  	s0 =	sor.u32 s3, s0;
	s1 =	sshll.u32 s1, $0x11  }
0xbc: {  	s0 =	sor.u32 s1, s0  }
0xbd: {  	s0 =	sadd.s32 $0x8F2B, s0  }
0xbe: {  	[sflag:s0] =	ssyncadd.remote.s32 $0x1  }
0xbf: {  	_ =	sfence.sel $0xFFFF  }
0xc0: {  	[dreg:$0x0] =	wrdreg $0xFFFFFFFF;
	(pc) =	sbr.abs _section_cstart, $3  }
0xc1: {  	[dreg:$0x1] =	wrdreg $0xFFFFFFFF  }
0xc2: {  	_ =	task.clear_ibuf [dreg:s7], $0x2FFFF;
	_ =	strace $0x9FFFFFFF  }
0xc3: {  	(tm) =	ssettm $0x7FFFFFFF  }
tec
execute0_lowered:
.L_overlay_start_1:
0x0: {  	(tag) =	ssettag $0x1  }
0x1: {  	s0 =	rddreg [dreg:$0x0]  }
0x2: {  	s2 =	rddreg [dreg:$0x1]  }
0x3: {  	s1 =	rddreg [dreg:$0x2]  }
0x4: {  	s3 =	srdreg.scid;
	s9 =	stileid.u32;
	s11 =	simm.s32 $0x1  }
0x5: {  	s12 =	simm.s32 $0x6480;
	s28 =	simm.s32 $0x6900;
	s4 =	sand.u32 $0x1, s3  }
0x6: {  	s29 =	simm.s32 $0x6980;
	s5 =	sshll.u32 s4, $0x4;
	s4 =	ssub.s32 $0x2, s4  }
0x7: {  	s30 =	simm.s32 $0x6A00;
	s7 =	sshll.u32 s9, $0x10;
	s13 =	sshrl.u32 s4, $0x1  }
0x8: {  	s3 =	simm.s32 $0x0;
	s8 =	ssub.s32 s4, s13;
	s4 =	sadd.s32 s7, s1  }
0x9: {  	s31 =	simm.s32 $0x6A80;
	[smem:$0x7FF] =	sst s3;
	s15 =	sadd.s32 $0x2000, s4  }
0xa: {  	_ =	strace $0x80000047;
	s16 =	sadd.s32 $0x4000, s4;
	[dreg:$0x4] =	wrdreg s15  }
0xb: {  	s22 =	sshll.u32 s9, $0xE;
	s17 =	sadd.s32 $0x6000, s4;
	[dreg:$0x5] =	wrdreg s16  }
0xc: {  	s6 =	sor.u32 s9, s5;
	s18 =	sadd.s32 $0x8000, s4;
	[dreg:$0x6] =	wrdreg s17  }
0xd: {  	s2 =	sadd.s32 s5, s2;
	s19 =	sadd.s32 $0xA000, s4;
	[dreg:$0x7] =	wrdreg s18  }
0xe: {  	s6 =	smul.u32 $0x19000, s6;
	s20 =	sadd.s32 $0xC000, s4;
	[dreg:$0x8] =	wrdreg s19  }
0xf: {  	s13 =	simm.s32 $0x6500;
	s21 =	sadd.s32 $0xE000, s4;
	[dreg:$0x9] =	wrdreg s20  }
0x10: {  	s26 =	smax.u32 s8, $0x1;
	s14 =	sshrl.u32 s6, $0x3;
	[dreg:$0xa] =	wrdreg s21  }
0x11: {  	[dreg:$0xf] =	wrdreg s26;
	s18 =	simm.s32 $0xC880;
	s19 =	simm.s32 $0x2  }
0x12: {  	s20 =	simm.s32 $0x3;
	s21 =	simm.s32 $0x6400;
	s15 =	simm.s32 $0x6680  }
0x13: {  	s16 =	simm.s32 $0x6780;
	s26 =	simm.s32 $0x6800;
	s5 =	sadd.s32 s0, s14  }
0x14: {  	s17 =	simm.s32 $0x6880;
	s6 =	simm.s32 $0x4;
	s23 =	sadd.s32 $0xC80, s5  }
0x15: {  	s0 =	sadd.s32 s22, s2;
	s24 =	sadd.s32 $0x1900, s5;
	[dreg:$0xb] =	wrdreg s23  }
0x16: {  	s22 =	simm.s32 $0x80;
	s25 =	sadd.s32 $0x2580, s5;
	[dreg:$0xc] =	wrdreg s24  }
0x17: {  	s14 =	simm.s32 $0x6580;
	s0 =	sadd.s32 $0x200, s0;
	[dreg:$0xd] =	wrdreg s25  }
0x18: {  	s2 =	simm.s32 $0x6B80;
	[dreg:$0xe] =	wrdreg s0;
	s23 =	simm.s32 $0xC800  }
0x19: {  	v0 =	vimm.f32 $1.000000000e+00;
	v1 =	vimm.f32 $0.0e+00;
	s24 =	simm.s32 $0x6600;
	s25 =	simm.s32 $0x6700;
	s0 =	simm.s32 $0x6B00  }
.LBB2_1:
0x1a: {  	[tilespmem:$0xC800] =	vst v0  }
0x1b: {  	[tilespmem:$0xC810] =	vst v0  }
0x1c: {  	[tilespmem:$0xC820] =	vst v0  }
0x1d: {  	[tilespmem:$0xC830] =	vst v0  }
0x1e: {  	[tilespmem:$0xC840] =	vst v0  }
0x1f: {  	[tilespmem:$0xC850] =	vst v0  }
0x20: {  	[tilespmem:$0xC860] =	vst v0  }
0x21: {  	[tilespmem:$0xC870] =	vst v0;
	s7 =	simm.s32 $0x40;
	s8 =	simm.s32 $0x0  }
.LBB2_2:
0x22: {  	p0 =	sne.s32 s7, $0x7FC0;
	[tilespmem:s8+$0xC880] =	vst v1;
	s8 =	smov.u32 s7;
	s7 =	sadd.s32 $0x40, s7  }
.Ltmp0:
0x23: {  	(pc) =	sbr.rel @p0 .LBB2_2-.Ltmp0, $2  }
0x24: {  	_ =	sdelay $0x2  }
0x25: {  	s8 =	sshra.s32 s8, $0x2  }
0x26: {  	[tilespmem:s8+$0xC880] =	vst v1;
	s7 =	simm.s32 $0x0  }
0x27: {  	[tilespmem:s7], [sflag:$0x3] =	stream.linear.gather [hbm4b:s5+s7], $0x6400, $0x38;
	[tilespmem:$0x1E880] =	vst v63  }
0x28: {  	_ = 	snop  }
0x29: {  	[spmem:s4] =	stream.linear.scatter [tilespmem:s18], [sflag:$0x2], $0x2000, $0x38;
	[tilespmem:$0x1E880] =	vst v63  }
0x2a: {  	s10 =	rddreg [dreg:$0x4]  }
0x2b: {  	[spmem:s10] =	stream.linear.scatter [tilespmem:s18], [sflag:$0x2], $0x2000, $0x38;
	[tilespmem:$0x1E880] =	vst v63  }
0x2c: {  	s9 =	rddreg [dreg:$0x5]  }
0x2d: {  	[spmem:s9] =	stream.linear.scatter [tilespmem:s18], [sflag:$0x2], $0x2000, $0x38;
	[tilespmem:$0x1E880] =	vst v63  }
0x2e: {  	s10 =	rddreg [dreg:$0x6]  }
0x2f: {  	[spmem:s10] =	stream.linear.scatter [tilespmem:s18], [sflag:$0x2], $0x2000, $0x38;
	[tilespmem:$0x1E880] =	vst v63  }
0x30: {  	s9 =	rddreg [dreg:$0x7]  }
0x31: {  	[spmem:s9] =	stream.linear.scatter [tilespmem:s18], [sflag:$0x2], $0x2000, $0x38;
	[tilespmem:$0x1E880] =	vst v63  }
0x32: {  	s10 =	rddreg [dreg:$0x8]  }
0x33: {  	[spmem:s10] =	stream.linear.scatter [tilespmem:s18], [sflag:$0x2], $0x2000, $0x38;
	[tilespmem:$0x1E880] =	vst v63  }
0x34: {  	s9 =	rddreg [dreg:$0x9]  }
0x35: {  	[spmem:s9] =	stream.linear.scatter [tilespmem:s18], [sflag:$0x2], $0x2000, $0x38;
	[tilespmem:$0x1E880] =	vst v63  }
0x36: {  	s10 =	rddreg [dreg:$0xa]  }
0x37: {  	[spmem:s10] =	stream.linear.scatter [tilespmem:s18], [sflag:$0x2], $0x2000, $0x38;
	[tilespmem:$0x1E880] =	vst v63  }
0x38: {  	_ =	swait.ge [sflag:s19], $0x2000  }
0x39: {  	[sflag:s19] =	ssyncset.done $0x0  }
0x3a: {  	[sflag:s19] =	ssyncadd.s32 $0xFFFFE000  }
0x3b: {  	_ =	swait.ge [sflag:s19], $0x2000  }
0x3c: {  	[sflag:s19] =	ssyncset.done $0x0  }
0x3d: {  	[sflag:s19] =	ssyncadd.s32 $0xFFFFE000  }
0x3e: {  	_ =	swait.ge [sflag:s19], $0x2000  }
0x3f: {  	[sflag:s19] =	ssyncset.done $0x0  }
0x40: {  	[sflag:s19] =	ssyncadd.s32 $0xFFFFE000  }
0x41: {  	_ =	swait.ge [sflag:s19], $0x2000  }
0x42: {  	[sflag:s19] =	ssyncset.done $0x0  }
0x43: {  	[sflag:s19] =	ssyncadd.s32 $0xFFFFE000  }
0x44: {  	_ =	swait.ge [sflag:s19], $0x2000  }
0x45: {  	[sflag:s19] =	ssyncset.done $0x0  }
0x46: {  	[sflag:s19] =	ssyncadd.s32 $0xFFFFE000  }
0x47: {  	_ =	swait.ge [sflag:s19], $0x2000  }
0x48: {  	[sflag:s19] =	ssyncset.done $0x0  }
0x49: {  	[sflag:s19] =	ssyncadd.s32 $0xFFFFE000  }
0x4a: {  	_ =	swait.ge [sflag:s19], $0x2000  }
0x4b: {  	[sflag:s19] =	ssyncset.done $0x0  }
0x4c: {  	[sflag:s19] =	ssyncadd.s32 $0xFFFFE000  }
0x4d: {  	_ =	swait.ge [sflag:s19], $0x2000  }
0x4e: {  	[sflag:s19] =	ssyncset.done $0x0  }
0x4f: {  	[sflag:s19] =	ssyncadd.s32 $0xFFFFE000  }
0x50: {  	[bflag:$0x0] =	sbarrier.arrive $0xFFFF  }
0x51: {  	_ =	swait.ge [sflag:s20], $0x6400  }
0x52: {  	[sflag:s20] =	ssyncset.done $0x0  }
0x53: {  	s9 =	rddreg [dreg:$0xb];
	[sflag:s20] =	ssyncadd.s32 $0xFFFF9C00  }
0x54: {  	[tilespmem:s21], [sflag:$0x3] =	stream.linear.gather [hbm4b:s9+s7], $0x6400, $0x38;
	[tilespmem:$0x1E880] =	vst v63  }
0x55: {  	_ = 	snop  }
0x56: {  	[spmem:s1] =	stream.indirect.scatter.add.f32 [tilespmem:s23], [sflag:$0x1], $0x1, s7, s22, $0xb8;
	[tilespmem:$0x1E880] =	vst v63  }
0x57: {  	_ = 	snop  }
0x58: {  	[spmem:s1] =	stream.indirect.scatter.add.f32 [tilespmem:s23], [sflag:$0x1], $0x1, s22, s22, $0xb8;
	[tilespmem:$0x1E880] =	vst v63  }
0x59: {  	s10 =	simm.s32 $0x100  }
0x5a: {  	[spmem:s1] =	stream.indirect.scatter.add.f32 [tilespmem:s23], [sflag:$0x1], $0x1, s10, s22, $0xb8;
	[tilespmem:$0x1E880] =	vst v63  }
0x5b: {  	s8 =	simm.s32 $0x180  }
0x5c: {  	[spmem:s1] =	stream.indirect.scatter.add.f32 [tilespmem:s23], [sflag:$0x1], $0x1, s8, s22, $0xb8;
	[tilespmem:$0x1E880] =	vst v63  }
0x5d: {  	s9 =	simm.s32 $0x200  }
0x5e: {  	[spmem:s1] =	stream.indirect.scatter.add.f32 [tilespmem:s23], [sflag:$0x1], $0x1, s9, s22, $0xb8;
	[tilespmem:$0x1E880] =	vst v63  }
0x5f: {  	s10 =	simm.s32 $0x280  }
0x60: {  	[spmem:s1] =	stream.indirect.scatter.add.f32 [tilespmem:s23], [sflag:$0x1], $0x1, s10, s22, $0xb8;
	[tilespmem:$0x1E880] =	vst v63  }
0x61: {  	s8 =	simm.s32 $0x300  }
0x62: {  	[spmem:s1] =	stream.indirect.scatter.add.f32 [tilespmem:s23], [sflag:$0x1], $0x1, s8, s22, $0xb8;
	[tilespmem:$0x1E880] =	vst v63  }
0x63: {  	s9 =	simm.s32 $0x380  }
0x64: {  	[spmem:s1] =	stream.indirect.scatter.add.f32 [tilespmem:s23], [sflag:$0x1], $0x1, s9, s22, $0xb8;
	[tilespmem:$0x1E880] =	vst v63  }
0x65: {  	s10 =	simm.s32 $0x400  }
0x66: {  	[spmem:s1] =	stream.indirect.scatter.add.f32 [tilespmem:s23], [sflag:$0x1], $0x1, s10, s22, $0xb8;
	[tilespmem:$0x1E880] =	vst v63  }
0x67: {  	s8 =	simm.s32 $0x480  }
0x68: {  	[spmem:s1] =	stream.indirect.scatter.add.f32 [tilespmem:s23], [sflag:$0x1], $0x1, s8, s22, $0xb8;
	[tilespmem:$0x1E880] =	vst v63  }
0x69: {  	s9 =	simm.s32 $0x500  }
0x6a: {  	[spmem:s1] =	stream.indirect.scatter.add.f32 [tilespmem:s23], [sflag:$0x1], $0x1, s9, s22, $0xb8;
	[tilespmem:$0x1E880] =	vst v63  }
0x6b: {  	s10 =	simm.s32 $0x580  }
0x6c: {  	[spmem:s1] =	stream.indirect.scatter.add.f32 [tilespmem:s23], [sflag:$0x1], $0x1, s10, s22, $0xb8;
	[tilespmem:$0x1E880] =	vst v63  }
0x6d: {  	s8 =	simm.s32 $0x600  }
0x6e: {  	[spmem:s1] =	stream.indirect.scatter.add.f32 [tilespmem:s23], [sflag:$0x1], $0x1, s8, s22, $0xb8;
	[tilespmem:$0x1E880] =	vst v63  }
0x6f: {  	s9 =	simm.s32 $0x680  }
0x70: {  	[spmem:s1] =	stream.indirect.scatter.add.f32 [tilespmem:s23], [sflag:$0x1], $0x1, s9, s22, $0xb8;
	[tilespmem:$0x1E880] =	vst v63  }
0x71: {  	s10 =	simm.s32 $0x700  }
0x72: {  	[spmem:s1] =	stream.indirect.scatter.add.f32 [tilespmem:s23], [sflag:$0x1], $0x1, s10, s22, $0xb8;
	[tilespmem:$0x1E880] =	vst v63  }
0x73: {  	s8 =	simm.s32 $0x780  }
0x74: {  	[spmem:s1] =	stream.indirect.scatter.add.f32 [tilespmem:s23], [sflag:$0x1], $0x1, s8, s22, $0xb8;
	[tilespmem:$0x1E880] =	vst v63  }
0x75: {  	s9 =	simm.s32 $0x800  }
0x76: {  	[spmem:s1] =	stream.indirect.scatter.add.f32 [tilespmem:s23], [sflag:$0x1], $0x1, s9, s22, $0xb8;
	[tilespmem:$0x1E880] =	vst v63  }
0x77: {  	s10 =	simm.s32 $0x880  }
0x78: {  	[spmem:s1] =	stream.indirect.scatter.add.f32 [tilespmem:s23], [sflag:$0x1], $0x1, s10, s22, $0xb8;
	[tilespmem:$0x1E880] =	vst v63  }
0x79: {  	s8 =	simm.s32 $0x900  }
0x7a: {  	[spmem:s1] =	stream.indirect.scatter.add.f32 [tilespmem:s23], [sflag:$0x1], $0x1, s8, s22, $0xb8;
	[tilespmem:$0x1E880] =	vst v63  }
0x7b: {  	s9 =	simm.s32 $0x980  }
0x7c: {  	[spmem:s1] =	stream.indirect.scatter.add.f32 [tilespmem:s23], [sflag:$0x1], $0x1, s9, s22, $0xb8;
	[tilespmem:$0x1E880] =	vst v63  }
0x7d: {  	s10 =	simm.s32 $0xA00  }
0x7e: {  	[spmem:s1] =	stream.indirect.scatter.add.f32 [tilespmem:s23], [sflag:$0x1], $0x1, s10, s22, $0xb8;
	[tilespmem:$0x1E880] =	vst v63  }
0x7f: {  	s8 =	simm.s32 $0xA80  }
0x80: {  	[spmem:s1] =	stream.indirect.scatter.add.f32 [tilespmem:s23], [sflag:$0x1], $0x1, s8, s22, $0xb8;
	[tilespmem:$0x1E880] =	vst v63  }
0x81: {  	s9 =	simm.s32 $0xB00  }
0x82: {  	[spmem:s1] =	stream.indirect.scatter.add.f32 [tilespmem:s23], [sflag:$0x1], $0x1, s9, s22, $0xb8;
	[tilespmem:$0x1E880] =	vst v63  }
0x83: {  	s10 =	simm.s32 $0xB80  }
0x84: {  	[spmem:s1] =	stream.indirect.scatter.add.f32 [tilespmem:s23], [sflag:$0x1], $0x1, s10, s22, $0xb8;
	[tilespmem:$0x1E880] =	vst v63  }
0x85: {  	_ =	swait.ge [sflag:s11], $0x400  }
0x86: {  	s7 =	simm.s32 $0x1000;
	s8 =	simm.s32 $0x2000;
	[sflag:s11] =	ssyncset.done $0x0  }
.LBB2_4:
0x87: {  	s9 =	sshra.s32 s7, $0x2  }
0x88: {  	[sflag:s11] =	ssyncadd.s32 $0xFFFFFC00;
	s7 =	smov.u32 s8;
	s10 =	sadd.s32 $0x1000, s8  }
0x89: {  	p0 =	sne.s32 s8, $0x16000;
	s8 =	sadd.s32 $0x800, s9  }
0x8a: {  	[spmem:s1] =	stream.indirect.scatter.add.f32 [tilespmem:s23], [sflag:$0x1], $0x1, s8, s22, $0xb8;
	[tilespmem:$0x1E880] =	vst v63  }
0x8b: {  	s8 =	sadd.s32 $0x880, s9  }
0x8c: {  	[spmem:s1] =	stream.indirect.scatter.add.f32 [tilespmem:s23], [sflag:$0x1], $0x1, s8, s22, $0xb8;
	[tilespmem:$0x1E880] =	vst v63  }
0x8d: {  	s8 =	sadd.s32 $0x900, s9  }
0x8e: {  	[spmem:s1] =	stream.indirect.scatter.add.f32 [tilespmem:s23], [sflag:$0x1], $0x1, s8, s22, $0xb8;
	[tilespmem:$0x1E880] =	vst v63  }
0x8f: {  	s8 =	sadd.s32 $0x980, s9  }
0x90: {  	[spmem:s1] =	stream.indirect.scatter.add.f32 [tilespmem:s23], [sflag:$0x1], $0x1, s8, s22, $0xb8;
	[tilespmem:$0x1E880] =	vst v63  }
0x91: {  	s8 =	sadd.s32 $0xA00, s9  }
0x92: {  	[spmem:s1] =	stream.indirect.scatter.add.f32 [tilespmem:s23], [sflag:$0x1], $0x1, s8, s22, $0xb8;
	[tilespmem:$0x1E880] =	vst v63  }
0x93: {  	s8 =	sadd.s32 $0xA80, s9  }
0x94: {  	[spmem:s1] =	stream.indirect.scatter.add.f32 [tilespmem:s23], [sflag:$0x1], $0x1, s8, s22, $0xb8;
	[tilespmem:$0x1E880] =	vst v63  }
0x95: {  	s8 =	sadd.s32 $0xB00, s9  }
0x96: {  	[spmem:s1] =	stream.indirect.scatter.add.f32 [tilespmem:s23], [sflag:$0x1], $0x1, s8, s22, $0xb8;
	[tilespmem:$0x1E880] =	vst v63  }
.Ltmp1:
0x97: {  	_ = 	snop;
	(pc) =	sbr.rel @p0 .LBB2_4-.Ltmp1, $4  }
0x98: {  	s8 =	sadd.s32 $0xB80, s9  }
0x99: {  	[spmem:s1] =	stream.indirect.scatter.add.f32 [tilespmem:s23], [sflag:$0x1], $0x1, s8, s22, $0xb8;
	[tilespmem:$0x1E880] =	vst v63  }
0x9a: {  	_ =	swait.ge [sflag:s11], $0x400  }
0x9b: {  	s8 =	smov.u32 s10;
	[sflag:s11] =	ssyncset.done $0x0  }
0x9c: {  	s7 =	sshra.s32 s7, $0x2  }
0x9d: {  	[sflag:s11] =	ssyncadd.s32 $0xFFFFFC00;
	s8 =	sadd.s32 $0x800, s7  }
0x9e: {  	[spmem:s1] =	stream.indirect.scatter.add.f32 [tilespmem:s23], [sflag:$0x1], $0x1, s8, s22, $0xb8;
	[tilespmem:$0x1E880] =	vst v63  }
0x9f: {  	s9 =	sadd.s32 $0x880, s7  }
0xa0: {  	[spmem:s1] =	stream.indirect.scatter.add.f32 [tilespmem:s23], [sflag:$0x1], $0x1, s9, s22, $0xb8;
	[tilespmem:$0x1E880] =	vst v63  }
0xa1: {  	s10 =	sadd.s32 $0x900, s7  }
0xa2: {  	[spmem:s1] =	stream.indirect.scatter.add.f32 [tilespmem:s23], [sflag:$0x1], $0x1, s10, s22, $0xb8;
	[tilespmem:$0x1E880] =	vst v63  }
0xa3: {  	s9 =	sadd.s32 $0x980, s7  }
0xa4: {  	[spmem:s1] =	stream.indirect.scatter.add.f32 [tilespmem:s23], [sflag:$0x1], $0x1, s9, s22, $0xb8;
	[tilespmem:$0x1E880] =	vst v63  }
0xa5: {  	s10 =	sadd.s32 $0xA00, s7  }
0xa6: {  	[spmem:s1] =	stream.indirect.scatter.add.f32 [tilespmem:s23], [sflag:$0x1], $0x1, s10, s22, $0xb8;
	[tilespmem:$0x1E880] =	vst v63  }
0xa7: {  	s9 =	sadd.s32 $0xA80, s7  }
0xa8: {  	[spmem:s1] =	stream.indirect.scatter.add.f32 [tilespmem:s23], [sflag:$0x1], $0x1, s9, s22, $0xb8;
	[tilespmem:$0x1E880] =	vst v63  }
0xa9: {  	s10 =	sadd.s32 $0xB00, s7  }
0xaa: {  	[spmem:s1] =	stream.indirect.scatter.add.f32 [tilespmem:s23], [sflag:$0x1], $0x1, s10, s22, $0xb8;
	[tilespmem:$0x1E880] =	vst v63  }
0xab: {  	s7 =	sadd.s32 $0xB80, s7  }
0xac: {  	[spmem:s1] =	stream.indirect.scatter.add.f32 [tilespmem:s23], [sflag:$0x1], $0x1, s7, s22, $0xb8;
	[tilespmem:$0x1E880] =	vst v63  }
0xad: {  	_ =	swait.ge [sflag:s11], $0x400  }
0xae: {  	[sflag:s11] =	ssyncset.done $0x0  }
0xaf: {  	[sflag:s11] =	ssyncadd.s32 $0xFFFFFC00  }
0xb0: {  	_ =	swait.ge [sflag:s11], $0x400  }
0xb1: {  	[sflag:s11] =	ssyncset.done $0x0  }
0xb2: {  	[sflag:s11] =	ssyncadd.s32 $0xFFFFFC00  }
0xb3: {  	_ =	swait.ge [sflag:s11], $0x400  }
0xb4: {  	[sflag:s11] =	ssyncset.done $0x0  }
0xb5: {  	[sflag:s11] =	ssyncadd.s32 $0xFFFFFC00  }
0xb6: {  	_ =	swait.ge [sflag:s20], $0x6400  }
0xb7: {  	[sflag:s20] =	ssyncset.done $0x0  }
0xb8: {  	s9 =	simm.s32 $0x0;
	s10 =	rddreg [dreg:$0xc];
	[sflag:s20] =	ssyncadd.s32 $0xFFFF9C00  }
0xb9: {  	[tilespmem:s9], [sflag:$0x3] =	stream.linear.gather [hbm4b:s10+s9], $0x6400, $0x38;
	[tilespmem:$0x1E880] =	vst v63  }
0xba: {  	_ = 	snop  }
0xbb: {  	[spmem:s1] =	stream.indirect.scatter.add.f32 [tilespmem:s23], [sflag:$0x1], $0x1, s21, s22, $0xb8;
	[tilespmem:$0x1E880] =	vst v63  }
0xbc: {  	_ = 	snop  }
0xbd: {  	[spmem:s1] =	stream.indirect.scatter.add.f32 [tilespmem:s23], [sflag:$0x1], $0x1, s12, s22, $0xb8;
	[tilespmem:$0x1E880] =	vst v63  }
0xbe: {  	_ = 	snop  }
0xbf: {  	[spmem:s1] =	stream.indirect.scatter.add.f32 [tilespmem:s23], [sflag:$0x1], $0x1, s13, s22, $0xb8;
	[tilespmem:$0x1E880] =	vst v63  }
0xc0: {  	_ = 	snop  }
0xc1: {  	[spmem:s1] =	stream.indirect.scatter.add.f32 [tilespmem:s23], [sflag:$0x1], $0x1, s14, s22, $0xb8;
	[tilespmem:$0x1E880] =	vst v63  }
0xc2: {  	_ = 	snop  }
0xc3: {  	[spmem:s1] =	stream.indirect.scatter.add.f32 [tilespmem:s23], [sflag:$0x1], $0x1, s24, s22, $0xb8;
	[tilespmem:$0x1E880] =	vst v63  }
0xc4: {  	_ = 	snop  }
0xc5: {  	[spmem:s1] =	stream.indirect.scatter.add.f32 [tilespmem:s23], [sflag:$0x1], $0x1, s15, s22, $0xb8;
	[tilespmem:$0x1E880] =	vst v63  }
0xc6: {  	_ = 	snop  }
0xc7: {  	[spmem:s1] =	stream.indirect.scatter.add.f32 [tilespmem:s23], [sflag:$0x1], $0x1, s25, s22, $0xb8;
	[tilespmem:$0x1E880] =	vst v63  }
0xc8: {  	_ = 	snop  }
0xc9: {  	[spmem:s1] =	stream.indirect.scatter.add.f32 [tilespmem:s23], [sflag:$0x1], $0x1, s16, s22, $0xb8;
	[tilespmem:$0x1E880] =	vst v63  }
0xca: {  	_ = 	snop  }
0xcb: {  	[spmem:s1] =	stream.indirect.scatter.add.f32 [tilespmem:s23], [sflag:$0x1], $0x1, s26, s22, $0xb8;
	[tilespmem:$0x1E880] =	vst v63  }
0xcc: {  	_ = 	snop  }
0xcd: {  	[spmem:s1] =	stream.indirect.scatter.add.f32 [tilespmem:s23], [sflag:$0x1], $0x1, s17, s22, $0xb8;
	[tilespmem:$0x1E880] =	vst v63  }
0xce: {  	_ = 	snop  }
0xcf: {  	[spmem:s1] =	stream.indirect.scatter.add.f32 [tilespmem:s23], [sflag:$0x1], $0x1, s28, s22, $0xb8;
	[tilespmem:$0x1E880] =	vst v63  }
0xd0: {  	_ = 	snop  }
0xd1: {  	[spmem:s1] =	stream.indirect.scatter.add.f32 [tilespmem:s23], [sflag:$0x1], $0x1, s29, s22, $0xb8;
	[tilespmem:$0x1E880] =	vst v63  }
0xd2: {  	_ = 	snop  }
0xd3: {  	[spmem:s1] =	stream.indirect.scatter.add.f32 [tilespmem:s23], [sflag:$0x1], $0x1, s30, s22, $0xb8;
	[tilespmem:$0x1E880] =	vst v63  }
0xd4: {  	_ = 	snop  }
0xd5: {  	[spmem:s1] =	stream.indirect.scatter.add.f32 [tilespmem:s23], [sflag:$0x1], $0x1, s31, s22, $0xb8;
	[tilespmem:$0x1E880] =	vst v63  }
0xd6: {  	_ = 	snop  }
0xd7: {  	[spmem:s1] =	stream.indirect.scatter.add.f32 [tilespmem:s23], [sflag:$0x1], $0x1, s0, s22, $0xb8;
	[tilespmem:$0x1E880] =	vst v63  }
0xd8: {  	_ = 	snop  }
0xd9: {  	[spmem:s1] =	stream.indirect.scatter.add.f32 [tilespmem:s23], [sflag:$0x1], $0x1, s2, s22, $0xb8;
	[tilespmem:$0x1E880] =	vst v63  }
0xda: {  	s9 =	simm.s32 $0x6C00  }
0xdb: {  	[spmem:s1] =	stream.indirect.scatter.add.f32 [tilespmem:s23], [sflag:$0x1], $0x1, s9, s22, $0xb8;
	[tilespmem:$0x1E880] =	vst v63  }
0xdc: {  	s10 =	simm.s32 $0x6C80  }
0xdd: {  	[spmem:s1] =	stream.indirect.scatter.add.f32 [tilespmem:s23], [sflag:$0x1], $0x1, s10, s22, $0xb8;
	[tilespmem:$0x1E880] =	vst v63  }
0xde: {  	s8 =	simm.s32 $0x6D00  }
0xdf: {  	[spmem:s1] =	stream.indirect.scatter.add.f32 [tilespmem:s23], [sflag:$0x1], $0x1, s8, s22, $0xb8;
	[tilespmem:$0x1E880] =	vst v63  }
0xe0: {  	s9 =	simm.s32 $0x6D80  }
0xe1: {  	[spmem:s1] =	stream.indirect.scatter.add.f32 [tilespmem:s23], [sflag:$0x1], $0x1, s9, s22, $0xb8;
	[tilespmem:$0x1E880] =	vst v63  }
0xe2: {  	s10 =	simm.s32 $0x6E00  }
0xe3: {  	[spmem:s1] =	stream.indirect.scatter.add.f32 [tilespmem:s23], [sflag:$0x1], $0x1, s10, s22, $0xb8;
	[tilespmem:$0x1E880] =	vst v63  }
0xe4: {  	s8 =	simm.s32 $0x6E80  }
0xe5: {  	[spmem:s1] =	stream.indirect.scatter.add.f32 [tilespmem:s23], [sflag:$0x1], $0x1, s8, s22, $0xb8;
	[tilespmem:$0x1E880] =	vst v63  }
0xe6: {  	s9 =	simm.s32 $0x6F00  }
0xe7: {  	[spmem:s1] =	stream.indirect.scatter.add.f32 [tilespmem:s23], [sflag:$0x1], $0x1, s9, s22, $0xb8;
	[tilespmem:$0x1E880] =	vst v63  }
0xe8: {  	s10 =	simm.s32 $0x6F80  }
0xe9: {  	[spmem:s1] =	stream.indirect.scatter.add.f32 [tilespmem:s23], [sflag:$0x1], $0x1, s10, s22, $0xb8;
	[tilespmem:$0x1E880] =	vst v63  }
0xea: {  	_ =	swait.ge [sflag:s11], $0x400  }
0xeb: {  	s7 =	simm.s32 $0x1000;
	s8 =	simm.s32 $0x2000;
	[sflag:s11] =	ssyncset.done $0x0  }
.LBB2_6:
0xec: {  	s9 =	sshra.s32 s7, $0x2  }
0xed: {  	[sflag:s11] =	ssyncadd.s32 $0xFFFFFC00;
	s7 =	smov.u32 s8;
	s10 =	sadd.s32 $0x1000, s8  }
0xee: {  	p0 =	sne.s32 s8, $0x16000;
	s8 =	sadd.s32 $0x6C00, s9  }
0xef: {  	[spmem:s1] =	stream.indirect.scatter.add.f32 [tilespmem:s23], [sflag:$0x1], $0x1, s8, s22, $0xb8;
	[tilespmem:$0x1E880] =	vst v63  }
0xf0: {  	s8 =	sadd.s32 $0x6C80, s9  }
0xf1: {  	[spmem:s1] =	stream.indirect.scatter.add.f32 [tilespmem:s23], [sflag:$0x1], $0x1, s8, s22, $0xb8;
	[tilespmem:$0x1E880] =	vst v63  }
0xf2: {  	s8 =	sadd.s32 $0x6D00, s9  }
0xf3: {  	[spmem:s1] =	stream.indirect.scatter.add.f32 [tilespmem:s23], [sflag:$0x1], $0x1, s8, s22, $0xb8;
	[tilespmem:$0x1E880] =	vst v63  }
0xf4: {  	s8 =	sadd.s32 $0x6D80, s9  }
0xf5: {  	[spmem:s1] =	stream.indirect.scatter.add.f32 [tilespmem:s23], [sflag:$0x1], $0x1, s8, s22, $0xb8;
	[tilespmem:$0x1E880] =	vst v63  }
0xf6: {  	s8 =	sadd.s32 $0x6E00, s9  }
0xf7: {  	[spmem:s1] =	stream.indirect.scatter.add.f32 [tilespmem:s23], [sflag:$0x1], $0x1, s8, s22, $0xb8;
	[tilespmem:$0x1E880] =	vst v63  }
0xf8: {  	s8 =	sadd.s32 $0x6E80, s9  }
0xf9: {  	[spmem:s1] =	stream.indirect.scatter.add.f32 [tilespmem:s23], [sflag:$0x1], $0x1, s8, s22, $0xb8;
	[tilespmem:$0x1E880] =	vst v63  }
0xfa: {  	s8 =	sadd.s32 $0x6F00, s9  }
0xfb: {  	[spmem:s1] =	stream.indirect.scatter.add.f32 [tilespmem:s23], [sflag:$0x1], $0x1, s8, s22, $0xb8;
	[tilespmem:$0x1E880] =	vst v63  }
.Ltmp2:
0xfc: {  	_ = 	snop;
	(pc) =	sbr.rel @p0 .LBB2_6-.Ltmp2, $4  }
0xfd: {  	s8 =	sadd.s32 $0x6F80, s9  }
0xfe: {  	[spmem:s1] =	stream.indirect.scatter.add.f32 [tilespmem:s23], [sflag:$0x1], $0x1, s8, s22, $0xb8;
	[tilespmem:$0x1E880] =	vst v63  }
0xff: {  	_ =	swait.ge [sflag:s11], $0x400  }
0x100: {  	s8 =	smov.u32 s10;
	[sflag:s11] =	ssyncset.done $0x0  }
0x101: {  	s7 =	sshra.s32 s7, $0x2  }
0x102: {  	[sflag:s11] =	ssyncadd.s32 $0xFFFFFC00;
	s8 =	sadd.s32 $0x6C00, s7  }
0x103: {  	[spmem:s1] =	stream.indirect.scatter.add.f32 [tilespmem:s23], [sflag:$0x1], $0x1, s8, s22, $0xb8;
	[tilespmem:$0x1E880] =	vst v63  }
0x104: {  	s10 =	sadd.s32 $0x6C80, s7  }
0x105: {  	[spmem:s1] =	stream.indirect.scatter.add.f32 [tilespmem:s23], [sflag:$0x1], $0x1, s10, s22, $0xb8;
	[tilespmem:$0x1E880] =	vst v63  }
0x106: {  	s9 =	sadd.s32 $0x6D00, s7  }
0x107: {  	[spmem:s1] =	stream.indirect.scatter.add.f32 [tilespmem:s23], [sflag:$0x1], $0x1, s9, s22, $0xb8;
	[tilespmem:$0x1E880] =	vst v63  }
0x108: {  	s10 =	sadd.s32 $0x6D80, s7  }
0x109: {  	[spmem:s1] =	stream.indirect.scatter.add.f32 [tilespmem:s23], [sflag:$0x1], $0x1, s10, s22, $0xb8;
	[tilespmem:$0x1E880] =	vst v63  }
0x10a: {  	s9 =	sadd.s32 $0x6E00, s7  }
0x10b: {  	[spmem:s1] =	stream.indirect.scatter.add.f32 [tilespmem:s23], [sflag:$0x1], $0x1, s9, s22, $0xb8;
	[tilespmem:$0x1E880] =	vst v63  }
0x10c: {  	s10 =	sadd.s32 $0x6E80, s7  }
0x10d: {  	[spmem:s1] =	stream.indirect.scatter.add.f32 [tilespmem:s23], [sflag:$0x1], $0x1, s10, s22, $0xb8;
	[tilespmem:$0x1E880] =	vst v63  }
0x10e: {  	s9 =	sadd.s32 $0x6F00, s7  }
0x10f: {  	[spmem:s1] =	stream.indirect.scatter.add.f32 [tilespmem:s23], [sflag:$0x1], $0x1, s9, s22, $0xb8;
	[tilespmem:$0x1E880] =	vst v63  }
0x110: {  	s7 =	sadd.s32 $0x6F80, s7  }
0x111: {  	[spmem:s1] =	stream.indirect.scatter.add.f32 [tilespmem:s23], [sflag:$0x1], $0x1, s7, s22, $0xb8;
	[tilespmem:$0x1E880] =	vst v63  }
0x112: {  	_ =	swait.ge [sflag:s11], $0x400  }
0x113: {  	[sflag:s11] =	ssyncset.done $0x0  }
0x114: {  	[sflag:s11] =	ssyncadd.s32 $0xFFFFFC00  }
0x115: {  	_ =	swait.ge [sflag:s11], $0x400  }
0x116: {  	[sflag:s11] =	ssyncset.done $0x0  }
0x117: {  	[sflag:s11] =	ssyncadd.s32 $0xFFFFFC00  }
0x118: {  	_ =	swait.ge [sflag:s11], $0x400  }
0x119: {  	[sflag:s11] =	ssyncset.done $0x0  }
0x11a: {  	[sflag:s11] =	ssyncadd.s32 $0xFFFFFC00  }
0x11b: {  	_ =	swait.ge [sflag:s20], $0x6400  }
0x11c: {  	[sflag:s20] =	ssyncset.done $0x0  }
0x11d: {  	s10 =	simm.s32 $0x0;
	s9 =	rddreg [dreg:$0xd];
	[sflag:s20] =	ssyncadd.s32 $0xFFFF9C00  }
0x11e: {  	[tilespmem:s21], [sflag:$0x3] =	stream.linear.gather [hbm4b:s9+s10], $0x6400, $0x38;
	[tilespmem:$0x1E880] =	vst v63  }
0x11f: {  	_ = 	snop  }
0x120: {  	[spmem:s1] =	stream.indirect.scatter.add.f32 [tilespmem:s23], [sflag:$0x1], $0x1, s10, s22, $0xb8;
	[tilespmem:$0x1E880] =	vst v63  }
0x121: {  	_ = 	snop  }
0x122: {  	[spmem:s1] =	stream.indirect.scatter.add.f32 [tilespmem:s23], [sflag:$0x1], $0x1, s22, s22, $0xb8;
	[tilespmem:$0x1E880] =	vst v63  }
0x123: {  	s10 =	simm.s32 $0x100  }
0x124: {  	[spmem:s1] =	stream.indirect.scatter.add.f32 [tilespmem:s23], [sflag:$0x1], $0x1, s10, s22, $0xb8;
	[tilespmem:$0x1E880] =	vst v63  }
0x125: {  	s8 =	simm.s32 $0x180  }
0x126: {  	[spmem:s1] =	stream.indirect.scatter.add.f32 [tilespmem:s23], [sflag:$0x1], $0x1, s8, s22, $0xb8;
	[tilespmem:$0x1E880] =	vst v63  }
0x127: {  	s9 =	simm.s32 $0x200  }
0x128: {  	[spmem:s1] =	stream.indirect.scatter.add.f32 [tilespmem:s23], [sflag:$0x1], $0x1, s9, s22, $0xb8;
	[tilespmem:$0x1E880] =	vst v63  }
0x129: {  	s10 =	simm.s32 $0x280  }
0x12a: {  	[spmem:s1] =	stream.indirect.scatter.add.f32 [tilespmem:s23], [sflag:$0x1], $0x1, s10, s22, $0xb8;
	[tilespmem:$0x1E880] =	vst v63  }
0x12b: {  	s8 =	simm.s32 $0x300  }
0x12c: {  	[spmem:s1] =	stream.indirect.scatter.add.f32 [tilespmem:s23], [sflag:$0x1], $0x1, s8, s22, $0xb8;
	[tilespmem:$0x1E880] =	vst v63  }
0x12d: {  	s9 =	simm.s32 $0x380  }
0x12e: {  	[spmem:s1] =	stream.indirect.scatter.add.f32 [tilespmem:s23], [sflag:$0x1], $0x1, s9, s22, $0xb8;
	[tilespmem:$0x1E880] =	vst v63  }
0x12f: {  	s10 =	simm.s32 $0x400  }
0x130: {  	[spmem:s1] =	stream.indirect.scatter.add.f32 [tilespmem:s23], [sflag:$0x1], $0x1, s10, s22, $0xb8;
	[tilespmem:$0x1E880] =	vst v63  }
0x131: {  	s8 =	simm.s32 $0x480  }
0x132: {  	[spmem:s1] =	stream.indirect.scatter.add.f32 [tilespmem:s23], [sflag:$0x1], $0x1, s8, s22, $0xb8;
	[tilespmem:$0x1E880] =	vst v63  }
0x133: {  	s9 =	simm.s32 $0x500  }
0x134: {  	[spmem:s1] =	stream.indirect.scatter.add.f32 [tilespmem:s23], [sflag:$0x1], $0x1, s9, s22, $0xb8;
	[tilespmem:$0x1E880] =	vst v63  }
0x135: {  	s10 =	simm.s32 $0x580  }
0x136: {  	[spmem:s1] =	stream.indirect.scatter.add.f32 [tilespmem:s23], [sflag:$0x1], $0x1, s10, s22, $0xb8;
	[tilespmem:$0x1E880] =	vst v63  }
0x137: {  	s8 =	simm.s32 $0x600  }
0x138: {  	[spmem:s1] =	stream.indirect.scatter.add.f32 [tilespmem:s23], [sflag:$0x1], $0x1, s8, s22, $0xb8;
	[tilespmem:$0x1E880] =	vst v63  }
0x139: {  	s9 =	simm.s32 $0x680  }
0x13a: {  	[spmem:s1] =	stream.indirect.scatter.add.f32 [tilespmem:s23], [sflag:$0x1], $0x1, s9, s22, $0xb8;
	[tilespmem:$0x1E880] =	vst v63  }
0x13b: {  	s10 =	simm.s32 $0x700  }
0x13c: {  	[spmem:s1] =	stream.indirect.scatter.add.f32 [tilespmem:s23], [sflag:$0x1], $0x1, s10, s22, $0xb8;
	[tilespmem:$0x1E880] =	vst v63  }
0x13d: {  	s8 =	simm.s32 $0x780  }
0x13e: {  	[spmem:s1] =	stream.indirect.scatter.add.f32 [tilespmem:s23], [sflag:$0x1], $0x1, s8, s22, $0xb8;
	[tilespmem:$0x1E880] =	vst v63  }
0x13f: {  	s9 =	simm.s32 $0x800  }
0x140: {  	[spmem:s1] =	stream.indirect.scatter.add.f32 [tilespmem:s23], [sflag:$0x1], $0x1, s9, s22, $0xb8;
	[tilespmem:$0x1E880] =	vst v63  }
0x141: {  	s10 =	simm.s32 $0x880  }
0x142: {  	[spmem:s1] =	stream.indirect.scatter.add.f32 [tilespmem:s23], [sflag:$0x1], $0x1, s10, s22, $0xb8;
	[tilespmem:$0x1E880] =	vst v63  }
0x143: {  	s8 =	simm.s32 $0x900  }
0x144: {  	[spmem:s1] =	stream.indirect.scatter.add.f32 [tilespmem:s23], [sflag:$0x1], $0x1, s8, s22, $0xb8;
	[tilespmem:$0x1E880] =	vst v63  }
0x145: {  	s9 =	simm.s32 $0x980  }
0x146: {  	[spmem:s1] =	stream.indirect.scatter.add.f32 [tilespmem:s23], [sflag:$0x1], $0x1, s9, s22, $0xb8;
	[tilespmem:$0x1E880] =	vst v63  }
0x147: {  	s10 =	simm.s32 $0xA00  }
0x148: {  	[spmem:s1] =	stream.indirect.scatter.add.f32 [tilespmem:s23], [sflag:$0x1], $0x1, s10, s22, $0xb8;
	[tilespmem:$0x1E880] =	vst v63  }
0x149: {  	s8 =	simm.s32 $0xA80  }
0x14a: {  	[spmem:s1] =	stream.indirect.scatter.add.f32 [tilespmem:s23], [sflag:$0x1], $0x1, s8, s22, $0xb8;
	[tilespmem:$0x1E880] =	vst v63  }
0x14b: {  	s9 =	simm.s32 $0xB00  }
0x14c: {  	[spmem:s1] =	stream.indirect.scatter.add.f32 [tilespmem:s23], [sflag:$0x1], $0x1, s9, s22, $0xb8;
	[tilespmem:$0x1E880] =	vst v63  }
0x14d: {  	s10 =	simm.s32 $0xB80  }
0x14e: {  	[spmem:s1] =	stream.indirect.scatter.add.f32 [tilespmem:s23], [sflag:$0x1], $0x1, s10, s22, $0xb8;
	[tilespmem:$0x1E880] =	vst v63  }
0x14f: {  	_ =	swait.ge [sflag:s11], $0x400  }
0x150: {  	s7 =	simm.s32 $0x1000;
	s8 =	simm.s32 $0x2000;
	[sflag:s11] =	ssyncset.done $0x0  }
.LBB2_8:
0x151: {  	s9 =	sshra.s32 s7, $0x2  }
0x152: {  	[sflag:s11] =	ssyncadd.s32 $0xFFFFFC00;
	s7 =	smov.u32 s8;
	s10 =	sadd.s32 $0x1000, s8  }
0x153: {  	p0 =	sne.s32 s8, $0x16000;
	s8 =	sadd.s32 $0x800, s9  }
0x154: {  	[spmem:s1] =	stream.indirect.scatter.add.f32 [tilespmem:s23], [sflag:$0x1], $0x1, s8, s22, $0xb8;
	[tilespmem:$0x1E880] =	vst v63  }
0x155: {  	s8 =	sadd.s32 $0x880, s9  }
0x156: {  	[spmem:s1] =	stream.indirect.scatter.add.f32 [tilespmem:s23], [sflag:$0x1], $0x1, s8, s22, $0xb8;
	[tilespmem:$0x1E880] =	vst v63  }
0x157: {  	s8 =	sadd.s32 $0x900, s9  }
0x158: {  	[spmem:s1] =	stream.indirect.scatter.add.f32 [tilespmem:s23], [sflag:$0x1], $0x1, s8, s22, $0xb8;
	[tilespmem:$0x1E880] =	vst v63  }
0x159: {  	s8 =	sadd.s32 $0x980, s9  }
0x15a: {  	[spmem:s1] =	stream.indirect.scatter.add.f32 [tilespmem:s23], [sflag:$0x1], $0x1, s8, s22, $0xb8;
	[tilespmem:$0x1E880] =	vst v63  }
0x15b: {  	s8 =	sadd.s32 $0xA00, s9  }
0x15c: {  	[spmem:s1] =	stream.indirect.scatter.add.f32 [tilespmem:s23], [sflag:$0x1], $0x1, s8, s22, $0xb8;
	[tilespmem:$0x1E880] =	vst v63  }
0x15d: {  	s8 =	sadd.s32 $0xA80, s9  }
0x15e: {  	[spmem:s1] =	stream.indirect.scatter.add.f32 [tilespmem:s23], [sflag:$0x1], $0x1, s8, s22, $0xb8;
	[tilespmem:$0x1E880] =	vst v63  }
0x15f: {  	s8 =	sadd.s32 $0xB00, s9  }
0x160: {  	[spmem:s1] =	stream.indirect.scatter.add.f32 [tilespmem:s23], [sflag:$0x1], $0x1, s8, s22, $0xb8;
	[tilespmem:$0x1E880] =	vst v63  }
.Ltmp3:
0x161: {  	_ = 	snop;
	(pc) =	sbr.rel @p0 .LBB2_8-.Ltmp3, $4  }
0x162: {  	s8 =	sadd.s32 $0xB80, s9  }
0x163: {  	[spmem:s1] =	stream.indirect.scatter.add.f32 [tilespmem:s23], [sflag:$0x1], $0x1, s8, s22, $0xb8;
	[tilespmem:$0x1E880] =	vst v63  }
0x164: {  	_ =	swait.ge [sflag:s11], $0x400  }
0x165: {  	s8 =	smov.u32 s10;
	[sflag:s11] =	ssyncset.done $0x0  }
0x166: {  	s7 =	sshra.s32 s7, $0x2  }
0x167: {  	[sflag:s11] =	ssyncadd.s32 $0xFFFFFC00;
	s8 =	sadd.s32 $0x800, s7  }
0x168: {  	[spmem:s1] =	stream.indirect.scatter.add.f32 [tilespmem:s23], [sflag:$0x1], $0x1, s8, s22, $0xb8;
	[tilespmem:$0x1E880] =	vst v63  }
0x169: {  	s9 =	sadd.s32 $0x880, s7  }
0x16a: {  	[spmem:s1] =	stream.indirect.scatter.add.f32 [tilespmem:s23], [sflag:$0x1], $0x1, s9, s22, $0xb8;
	[tilespmem:$0x1E880] =	vst v63  }
0x16b: {  	s10 =	sadd.s32 $0x900, s7  }
0x16c: {  	[spmem:s1] =	stream.indirect.scatter.add.f32 [tilespmem:s23], [sflag:$0x1], $0x1, s10, s22, $0xb8;
	[tilespmem:$0x1E880] =	vst v63  }
0x16d: {  	s9 =	sadd.s32 $0x980, s7  }
0x16e: {  	[spmem:s1] =	stream.indirect.scatter.add.f32 [tilespmem:s23], [sflag:$0x1], $0x1, s9, s22, $0xb8;
	[tilespmem:$0x1E880] =	vst v63  }
0x16f: {  	s10 =	sadd.s32 $0xA00, s7  }
0x170: {  	[spmem:s1] =	stream.indirect.scatter.add.f32 [tilespmem:s23], [sflag:$0x1], $0x1, s10, s22, $0xb8;
	[tilespmem:$0x1E880] =	vst v63  }
0x171: {  	s9 =	sadd.s32 $0xA80, s7  }
0x172: {  	[spmem:s1] =	stream.indirect.scatter.add.f32 [tilespmem:s23], [sflag:$0x1], $0x1, s9, s22, $0xb8;
	[tilespmem:$0x1E880] =	vst v63  }
0x173: {  	s10 =	sadd.s32 $0xB00, s7  }
0x174: {  	[spmem:s1] =	stream.indirect.scatter.add.f32 [tilespmem:s23], [sflag:$0x1], $0x1, s10, s22, $0xb8;
	[tilespmem:$0x1E880] =	vst v63  }
0x175: {  	s7 =	sadd.s32 $0xB80, s7  }
0x176: {  	[spmem:s1] =	stream.indirect.scatter.add.f32 [tilespmem:s23], [sflag:$0x1], $0x1, s7, s22, $0xb8;
	[tilespmem:$0x1E880] =	vst v63  }
0x177: {  	_ =	swait.ge [sflag:s11], $0x400  }
0x178: {  	[sflag:s11] =	ssyncset.done $0x0  }
0x179: {  	[sflag:s11] =	ssyncadd.s32 $0xFFFFFC00  }
0x17a: {  	_ =	swait.ge [sflag:s11], $0x400  }
0x17b: {  	[sflag:s11] =	ssyncset.done $0x0  }
0x17c: {  	[sflag:s11] =	ssyncadd.s32 $0xFFFFFC00  }
0x17d: {  	_ =	swait.ge [sflag:s11], $0x400  }
0x17e: {  	[sflag:s11] =	ssyncset.done $0x0  }
0x17f: {  	[sflag:s11] =	ssyncadd.s32 $0xFFFFFC00  }
0x180: {  	_ =	swait.ge [sflag:s20], $0x6400  }
0x181: {  	[sflag:s20] =	ssyncset.done $0x0  }
0x182: {  	[sflag:s20] =	ssyncadd.s32 $0xFFFF9C00  }
0x183: {  	[spmem:s1] =	stream.indirect.scatter.add.f32 [tilespmem:s23], [sflag:$0x1], $0x1, s21, s22, $0xb8;
	[tilespmem:$0x1E880] =	vst v63  }
0x184: {  	_ = 	snop  }
0x185: {  	[spmem:s1] =	stream.indirect.scatter.add.f32 [tilespmem:s23], [sflag:$0x1], $0x1, s12, s22, $0xb8;
	[tilespmem:$0x1E880] =	vst v63  }
0x186: {  	_ = 	snop  }
0x187: {  	[spmem:s1] =	stream.indirect.scatter.add.f32 [tilespmem:s23], [sflag:$0x1], $0x1, s13, s22, $0xb8;
	[tilespmem:$0x1E880] =	vst v63  }
0x188: {  	_ = 	snop  }
0x189: {  	[spmem:s1] =	stream.indirect.scatter.add.f32 [tilespmem:s23], [sflag:$0x1], $0x1, s14, s22, $0xb8;
	[tilespmem:$0x1E880] =	vst v63  }
0x18a: {  	_ = 	snop  }
0x18b: {  	[spmem:s1] =	stream.indirect.scatter.add.f32 [tilespmem:s23], [sflag:$0x1], $0x1, s24, s22, $0xb8;
	[tilespmem:$0x1E880] =	vst v63  }
0x18c: {  	_ = 	snop  }
0x18d: {  	[spmem:s1] =	stream.indirect.scatter.add.f32 [tilespmem:s23], [sflag:$0x1], $0x1, s15, s22, $0xb8;
	[tilespmem:$0x1E880] =	vst v63  }
0x18e: {  	_ = 	snop  }
0x18f: {  	[spmem:s1] =	stream.indirect.scatter.add.f32 [tilespmem:s23], [sflag:$0x1], $0x1, s25, s22, $0xb8;
	[tilespmem:$0x1E880] =	vst v63  }
0x190: {  	_ = 	snop  }
0x191: {  	[spmem:s1] =	stream.indirect.scatter.add.f32 [tilespmem:s23], [sflag:$0x1], $0x1, s16, s22, $0xb8;
	[tilespmem:$0x1E880] =	vst v63  }
0x192: {  	_ = 	snop  }
0x193: {  	[spmem:s1] =	stream.indirect.scatter.add.f32 [tilespmem:s23], [sflag:$0x1], $0x1, s26, s22, $0xb8;
	[tilespmem:$0x1E880] =	vst v63  }
0x194: {  	_ = 	snop  }
0x195: {  	[spmem:s1] =	stream.indirect.scatter.add.f32 [tilespmem:s23], [sflag:$0x1], $0x1, s17, s22, $0xb8;
	[tilespmem:$0x1E880] =	vst v63  }
0x196: {  	_ = 	snop  }
0x197: {  	[spmem:s1] =	stream.indirect.scatter.add.f32 [tilespmem:s23], [sflag:$0x1], $0x1, s28, s22, $0xb8;
	[tilespmem:$0x1E880] =	vst v63  }
0x198: {  	_ = 	snop  }
0x199: {  	[spmem:s1] =	stream.indirect.scatter.add.f32 [tilespmem:s23], [sflag:$0x1], $0x1, s29, s22, $0xb8;
	[tilespmem:$0x1E880] =	vst v63  }
0x19a: {  	_ = 	snop  }
0x19b: {  	[spmem:s1] =	stream.indirect.scatter.add.f32 [tilespmem:s23], [sflag:$0x1], $0x1, s30, s22, $0xb8;
	[tilespmem:$0x1E880] =	vst v63  }
0x19c: {  	_ = 	snop  }
0x19d: {  	[spmem:s1] =	stream.indirect.scatter.add.f32 [tilespmem:s23], [sflag:$0x1], $0x1, s31, s22, $0xb8;
	[tilespmem:$0x1E880] =	vst v63  }
0x19e: {  	_ = 	snop  }
0x19f: {  	[spmem:s1] =	stream.indirect.scatter.add.f32 [tilespmem:s23], [sflag:$0x1], $0x1, s0, s22, $0xb8;
	[tilespmem:$0x1E880] =	vst v63  }
0x1a0: {  	_ = 	snop  }
0x1a1: {  	[spmem:s1] =	stream.indirect.scatter.add.f32 [tilespmem:s23], [sflag:$0x1], $0x1, s2, s22, $0xb8;
	[tilespmem:$0x1E880] =	vst v63  }
0x1a2: {  	s8 =	simm.s32 $0x6C00  }
0x1a3: {  	[spmem:s1] =	stream.indirect.scatter.add.f32 [tilespmem:s23], [sflag:$0x1], $0x1, s8, s22, $0xb8;
	[tilespmem:$0x1E880] =	vst v63  }
0x1a4: {  	s9 =	simm.s32 $0x6C80  }
0x1a5: {  	[spmem:s1] =	stream.indirect.scatter.add.f32 [tilespmem:s23], [sflag:$0x1], $0x1, s9, s22, $0xb8;
	[tilespmem:$0x1E880] =	vst v63  }
0x1a6: {  	s10 =	simm.s32 $0x6D00  }
0x1a7: {  	[spmem:s1] =	stream.indirect.scatter.add.f32 [tilespmem:s23], [sflag:$0x1], $0x1, s10, s22, $0xb8;
	[tilespmem:$0x1E880] =	vst v63  }
0x1a8: {  	s12 =	simm.s32 $0x6D80  }
0x1a9: {  	[spmem:s1] =	stream.indirect.scatter.add.f32 [tilespmem:s23], [sflag:$0x1], $0x1, s12, s22, $0xb8;
	[tilespmem:$0x1E880] =	vst v63  }
0x1aa: {  	s8 =	simm.s32 $0x6E00  }
0x1ab: {  	[spmem:s1] =	stream.indirect.scatter.add.f32 [tilespmem:s23], [sflag:$0x1], $0x1, s8, s22, $0xb8;
	[tilespmem:$0x1E880] =	vst v63  }
0x1ac: {  	s9 =	simm.s32 $0x6E80  }
0x1ad: {  	[spmem:s1] =	stream.indirect.scatter.add.f32 [tilespmem:s23], [sflag:$0x1], $0x1, s9, s22, $0xb8;
	[tilespmem:$0x1E880] =	vst v63  }
0x1ae: {  	s10 =	simm.s32 $0x6F00  }
0x1af: {  	[spmem:s1] =	stream.indirect.scatter.add.f32 [tilespmem:s23], [sflag:$0x1], $0x1, s10, s22, $0xb8;
	[tilespmem:$0x1E880] =	vst v63  }
0x1b0: {  	s12 =	simm.s32 $0x6F80  }
0x1b1: {  	[spmem:s1] =	stream.indirect.scatter.add.f32 [tilespmem:s23], [sflag:$0x1], $0x1, s12, s22, $0xb8;
	[tilespmem:$0x1E880] =	vst v63  }
0x1b2: {  	_ =	swait.ge [sflag:s11], $0x400  }
0x1b3: {  	s7 =	simm.s32 $0x1000;
	s8 =	simm.s32 $0x2000;
	[sflag:s11] =	ssyncset.done $0x0  }
.LBB2_10:
0x1b4: {  	s9 =	sshra.s32 s7, $0x2  }
0x1b5: {  	[sflag:s11] =	ssyncadd.s32 $0xFFFFFC00;
	s7 =	smov.u32 s8;
	s10 =	sadd.s32 $0x1000, s8  }
0x1b6: {  	p0 =	sne.s32 s8, $0x16000;
	s8 =	sadd.s32 $0x6C00, s9  }
0x1b7: {  	[spmem:s1] =	stream.indirect.scatter.add.f32 [tilespmem:s23], [sflag:$0x1], $0x1, s8, s22, $0xb8;
	[tilespmem:$0x1E880] =	vst v63  }
0x1b8: {  	s8 =	sadd.s32 $0x6C80, s9  }
0x1b9: {  	[spmem:s1] =	stream.indirect.scatter.add.f32 [tilespmem:s23], [sflag:$0x1], $0x1, s8, s22, $0xb8;
	[tilespmem:$0x1E880] =	vst v63  }
0x1ba: {  	s8 =	sadd.s32 $0x6D00, s9  }
0x1bb: {  	[spmem:s1] =	stream.indirect.scatter.add.f32 [tilespmem:s23], [sflag:$0x1], $0x1, s8, s22, $0xb8;
	[tilespmem:$0x1E880] =	vst v63  }
0x1bc: {  	s8 =	sadd.s32 $0x6D80, s9  }
0x1bd: {  	[spmem:s1] =	stream.indirect.scatter.add.f32 [tilespmem:s23], [sflag:$0x1], $0x1, s8, s22, $0xb8;
	[tilespmem:$0x1E880] =	vst v63  }
0x1be: {  	s8 =	sadd.s32 $0x6E00, s9  }
0x1bf: {  	[spmem:s1] =	stream.indirect.scatter.add.f32 [tilespmem:s23], [sflag:$0x1], $0x1, s8, s22, $0xb8;
	[tilespmem:$0x1E880] =	vst v63  }
0x1c0: {  	s8 =	sadd.s32 $0x6E80, s9  }
0x1c1: {  	[spmem:s1] =	stream.indirect.scatter.add.f32 [tilespmem:s23], [sflag:$0x1], $0x1, s8, s22, $0xb8;
	[tilespmem:$0x1E880] =	vst v63  }
0x1c2: {  	s8 =	sadd.s32 $0x6F00, s9  }
0x1c3: {  	[spmem:s1] =	stream.indirect.scatter.add.f32 [tilespmem:s23], [sflag:$0x1], $0x1, s8, s22, $0xb8;
	[tilespmem:$0x1E880] =	vst v63  }
.Ltmp4:
0x1c4: {  	_ = 	snop;
	(pc) =	sbr.rel @p0 .LBB2_10-.Ltmp4, $4  }
0x1c5: {  	s8 =	sadd.s32 $0x6F80, s9  }
0x1c6: {  	[spmem:s1] =	stream.indirect.scatter.add.f32 [tilespmem:s23], [sflag:$0x1], $0x1, s8, s22, $0xb8;
	[tilespmem:$0x1E880] =	vst v63  }
0x1c7: {  	_ =	swait.ge [sflag:s11], $0x400  }
0x1c8: {  	s8 =	smov.u32 s10;
	[sflag:s11] =	ssyncset.done $0x0  }
0x1c9: {  	s7 =	sshra.s32 s7, $0x2  }
0x1ca: {  	[sflag:s11] =	ssyncadd.s32 $0xFFFFFC00;
	s8 =	sadd.s32 $0x6C00, s7  }
0x1cb: {  	[spmem:s1] =	stream.indirect.scatter.add.f32 [tilespmem:s23], [sflag:$0x1], $0x1, s8, s22, $0xb8;
	[tilespmem:$0x1E880] =	vst v63  }
0x1cc: {  	s10 =	sadd.s32 $0x6C80, s7  }
0x1cd: {  	[spmem:s1] =	stream.indirect.scatter.add.f32 [tilespmem:s23], [sflag:$0x1], $0x1, s10, s22, $0xb8;
	[tilespmem:$0x1E880] =	vst v63  }
0x1ce: {  	s12 =	sadd.s32 $0x6D00, s7  }
0x1cf: {  	[spmem:s1] =	stream.indirect.scatter.add.f32 [tilespmem:s23], [sflag:$0x1], $0x1, s12, s22, $0xb8;
	[tilespmem:$0x1E880] =	vst v63  }
0x1d0: {  	s9 =	sadd.s32 $0x6D80, s7  }
0x1d1: {  	[spmem:s1] =	stream.indirect.scatter.add.f32 [tilespmem:s23], [sflag:$0x1], $0x1, s9, s22, $0xb8;
	[tilespmem:$0x1E880] =	vst v63  }
0x1d2: {  	s10 =	sadd.s32 $0x6E00, s7  }
0x1d3: {  	[spmem:s1] =	stream.indirect.scatter.add.f32 [tilespmem:s23], [sflag:$0x1], $0x1, s10, s22, $0xb8;
	[tilespmem:$0x1E880] =	vst v63  }
0x1d4: {  	s12 =	sadd.s32 $0x6E80, s7  }
0x1d5: {  	[spmem:s1] =	stream.indirect.scatter.add.f32 [tilespmem:s23], [sflag:$0x1], $0x1, s12, s22, $0xb8;
	[tilespmem:$0x1E880] =	vst v63  }
0x1d6: {  	s9 =	sadd.s32 $0x6F00, s7  }
0x1d7: {  	[spmem:s1] =	stream.indirect.scatter.add.f32 [tilespmem:s23], [sflag:$0x1], $0x1, s9, s22, $0xb8;
	[tilespmem:$0x1E880] =	vst v63  }
0x1d8: {  	s7 =	sadd.s32 $0x6F80, s7  }
0x1d9: {  	[spmem:s1] =	stream.indirect.scatter.add.f32 [tilespmem:s23], [sflag:$0x1], $0x1, s7, s22, $0xb8;
	[tilespmem:$0x1E880] =	vst v63  }
0x1da: {  	_ =	swait.ge [sflag:s11], $0x400  }
0x1db: {  	[sflag:s11] =	ssyncset.done $0x0  }
0x1dc: {  	[sflag:s11] =	ssyncadd.s32 $0xFFFFFC00  }
0x1dd: {  	_ =	swait.ge [sflag:s11], $0x400  }
0x1de: {  	[sflag:s11] =	ssyncset.done $0x0  }
0x1df: {  	[sflag:s11] =	ssyncadd.s32 $0xFFFFFC00  }
0x1e0: {  	_ =	swait.ge [sflag:s11], $0x400  }
0x1e1: {  	[sflag:s11] =	ssyncset.done $0x0  }
0x1e2: {  	s8 =	sshrl.u32 s4, $0x3;
	s10 =	stileid.u32;
	[sflag:s11] =	ssyncadd.s32 $0xFFFFFC00  }
0x1e3: {  	s12 =	simm.s32 $0x10;
	s7 =	sshll.u32 s10, $0x6;
	[bflag:$0x0] =	sbarrier.arrive $0xFFFF  }
0x1e4: {  	s10 =	simm.s32 $0x20;
	s7 =	sor.u32 $0x1C04, s7;
	s9 =	rddreg [dreg:$0xe]  }
0x1e5: {  	[hbm:s9@s10], [sflag:s7] =	dma.strided [spmem:s8@s12], $0x2000, s11, $0x10   }
0x1e6: {  	_ =	swait.ge [sflag:s6], $0x2000  }
0x1e7: {  	s3 =	sadd.s32 $0x1, s3;
	s12 =	rddreg [dreg:$0xf]  }
0x1e8: {  	p0 =	sne.s32 s3, s12  }
.Ltmp5:
0x1e9: {  	_ = 	snop;
	(pc) =	sbr.rel @p0 .LBB2_1-.Ltmp5, $3  }
0x1ea: {  	_ =	sdelay $0x1  }
0x1eb: {  	[sflag:s6] =	ssyncset.done $0x0  }
0x1ec: {  	[sflag:s6] =	ssyncadd.s32 $0xFFFFE000;
	s12 =	simm.s32 $0x6480  }
0x1ed: {  	_ =	sfence.sel $0x180000  }
0x1ee: {  	[bflag:$0x0] =	sbarrier.arrive $0xFFFF  }
0x1ef: {  	_ =	strace $0x90000047  }
0x1f0: {  	s0 =	stileid.u32;
	[bflag:$0x2] =	sbarrier.arrive $0xFFFF  }
0x1f1: {  	p0 =	sne.s32 s0, $0x0;
	s0 =	rddreg [dreg:$0x3]  }
0x1f2: {  	s0 =	sadd.s32 @!p0 $0x100000, s0  }
0x1f3: {  	[sflag:s0] =	ssyncadd.tile.s32 @!p0 $0x1;
	_ =	shalt  }
.Lfunc_end2:
_tile_overlayer_lowered:
.L_overlay_start_2:
0x1f4: {  	(tag) =	ssettag $0x2  }
0x1f5: {  	s0 =	rddreg [dreg:$0x0];
	s2 =	stileid.u32  }
0x1f6: {  	s1 =	rddreg [dreg:$0x1];
	p0 =	sne.s32 s2, $0x0  }
0x1f7: {  	s3 =	rddreg [dreg:$0x2];
	[bflag:$0x3] =	sbarrier.arrive $0xFFFF;
	s2 =	simm.s32 @!p0 $0x1C04  }
0x1f8: {  	[timem:s3], [sflag:s2] =	dma.local @!p0 [hbm:s0], s1  }
0x1f9: {  	s0 =	simm.s32 @!p0 $0x4  }
0x1fa: {  	_ =	swait.ge @!p0 [sflag:s0], s1  }
0x1fb: {  	s1 =	ssub.s32 @!p0 $0x0, s1;
	[sflag:s0] =	ssyncset.done @!p0 $0x0  }
0x1fc: {  	[sflag:s0] =	ssyncadd.s32 @!p0 s1  }
0x1fd: {  	[bflag:$0x3] =	sbarrier.arrive $0xFFFF  }
0x1fe: {  	_ =	shalt  }

</sc_bundles>
